<compile_context>
chip_gen: v7x
topology: tpu7x:2x2x1
jax: 0.10.2.dev20260603
libtpu: 0.0.44.dev20260713+nightly
codegen_flags: <defaults>
</compile_context>

<pallas_src>
import functools

import jax
import jax.numpy as jnp
from jax import lax
from jax.experimental import pallas as pl
from jax.experimental.pallas import tpu as pltpu
from jax.experimental.pallas import tpu_sc as plsc

N_NODES = 10000
N_EDGES = 320000
D = 128
DE = 16
NC = 2
NS = 16
NW = NC * NS
EPW = N_EDGES // NW
C = 80
K = EPW // C
N_PAD = 10240
RPT = N_PAD // NS

_MESH = plsc.VectorSubcoreMesh(core_axis_name="c", subcore_axis_name="s")


def _make_sc_a2():

    @functools.partial(
        pl.kernel,
        out_type=jax.ShapeDtypeStruct((NC, N_PAD, D), jnp.float32),
        mesh=_MESH,
        scratch_types=[
            [pltpu.VMEM((2, C), jnp.int32) for _ in range(3)],
            [pltpu.VMEM((C, D), jnp.float32) for _ in range(3)],
            pltpu.VMEM_SHARED((N_PAD, D), jnp.float32),
            [pltpu.SemaphoreType.DMA for _ in range(3)],
            [pltpu.SemaphoreType.DMA for _ in range(3)],
        ],
    )
    def sc_a2(x_hbm, fs_hbm, zeros_d_hbm, a2p_hbm,
              fs_v, rows_v, a2_sh, gsem, isem):
        cid = lax.axis_index("c")
        sid = lax.axis_index("s")
        wid = sid * NC + cid
        nbase = pl.multiple_of(sid * RPT, 8)
        pltpu.sync_copy(zeros_d_hbm, a2_sh.at[pl.ds(nbase, RPT)])
        pltpu.sync_copy(fs_hbm.at[wid, 0], fs_v[0])
        pltpu.async_copy(fs_hbm.at[wid, 1], fs_v[1], isem[1])
        pltpu.async_copy(fs_hbm.at[wid, 2], fs_v[2], isem[2])
        pltpu.async_copy(x_hbm.at[fs_v[0].at[1]], rows_v[0], gsem[0])
        pltpu.make_async_copy(fs_hbm.at[wid, 1], fs_v[1], isem[1]).wait()
        pltpu.async_copy(x_hbm.at[fs_v[1].at[1]], rows_v[1], gsem[1])
        plsc.subcore_barrier()

        def _step(j, b):
            pltpu.make_async_copy(x_hbm.at[fs_v[b].at[1]], rows_v[b],
                                  gsem[b]).wait()
            pltpu.sync_copy(rows_v[b], a2_sh.at[fs_v[b].at[0]], add=True)
            b2 = (b + 2) % 3
            pltpu.make_async_copy(fs_hbm.at[wid, j + 2], fs_v[b2],
                                  isem[b2]).wait()
            pltpu.async_copy(x_hbm.at[fs_v[b2].at[1]], rows_v[b2], gsem[b2])

            @pl.when(j + 3 < K)
            def _():
                pltpu.async_copy(fs_hbm.at[wid, j + 3], fs_v[b], isem[b])

        @pl.loop(0, (K - 2) // 3)
        def _triple(t):
            j = 3 * t
            _step(j, 0)
            _step(j + 1, 1)
            _step(j + 2, 2)

        pltpu.make_async_copy(x_hbm.at[fs_v[0].at[1]], rows_v[0],
                              gsem[0]).wait()
        pltpu.sync_copy(rows_v[0], a2_sh.at[fs_v[0].at[0]], add=True)
        pltpu.make_async_copy(x_hbm.at[fs_v[1].at[1]], rows_v[1],
                              gsem[1]).wait()
        pltpu.sync_copy(rows_v[1], a2_sh.at[fs_v[1].at[0]], add=True)

        plsc.subcore_barrier()
        pltpu.sync_copy(a2_sh.at[pl.ds(nbase, RPT)],
                        a2p_hbm.at[cid, pl.ds(nbase, RPT)])

    return sc_a2


DX = D


def _make_sc_a3cnt():

    @functools.partial(
        pl.kernel,
        out_type=jax.ShapeDtypeStruct((NC, N_PAD, DX), jnp.float32),
        mesh=_MESH,
        scratch_types=[
            pltpu.VMEM((K, C), jnp.int32),
            pltpu.VMEM((C, DX), jnp.float32),
            pltpu.VMEM((C, DX), jnp.float32),
            pltpu.VMEM_SHARED((N_PAD, DX), jnp.float32),
            pltpu.SemaphoreType.DMA,
            pltpu.SemaphoreType.DMA,
        ],
    )
    def sc_a3cnt(first_hbm, attrx_hbm, zeros_x_hbm, a3xp_hbm,
                 idx1_v, attrx0_v, attrx1_v, a3x_sh, sem0, sem1):
        cid = lax.axis_index("c")
        sid = lax.axis_index("s")
        wid = sid * NC + cid
        nbase = pl.multiple_of(sid * RPT, 8)
        pltpu.sync_copy(zeros_x_hbm, a3x_sh.at[pl.ds(nbase, RPT)])
        pltpu.sync_copy(first_hbm.at[wid], idx1_v)
        pltpu.async_copy(attrx_hbm.at[wid, 0], attrx0_v, sem0)
        plsc.subcore_barrier()

        @pl.loop(0, (K - 1) // 2)
        def _pair(p):
            j = 2 * p
            pltpu.make_async_copy(attrx_hbm.at[wid, j], attrx0_v, sem0).wait()
            pltpu.async_copy(attrx_hbm.at[wid, j + 1], attrx1_v, sem1)
            pltpu.sync_copy(attrx0_v, a3x_sh.at[idx1_v.at[j]], add=True)
            pltpu.make_async_copy(attrx_hbm.at[wid, j + 1], attrx1_v, sem1).wait()
            pltpu.async_copy(attrx_hbm.at[wid, j + 2], attrx0_v, sem0)
            pltpu.sync_copy(attrx1_v, a3x_sh.at[idx1_v.at[j + 1]], add=True)

        pltpu.make_async_copy(attrx_hbm.at[wid, K - 1], attrx0_v, sem0).wait()
        pltpu.sync_copy(attrx0_v, a3x_sh.at[idx1_v.at[K - 1]], add=True)

        plsc.subcore_barrier()
        pltpu.sync_copy(a3x_sh.at[pl.ds(nbase, RPT)],
                        a3xp_hbm.at[cid, pl.ds(nbase, RPT)])

    return sc_a3cnt


_SC_A2 = _make_sc_a2()
_SC_A3CNT = _make_sc_a3cnt()

_ROWS_PER_BLOCK = 400
_N_BLOCKS = N_NODES // _ROWS_PER_BLOCK


def _combine_body(x_ref, a2_ref, a3x_ref, we_ref, be_ref,
                  wn_ref, bn_ref, out_ref):
    f32 = jnp.float32
    x = x_ref[...]
    a2 = a2_ref[0] + a2_ref[1]
    a3x = a3x_ref[0] + a3x_ref[1]
    a3 = a3x[:, 0:DE]
    cnt = a3x[:, DE:DE + 1]
    ns = cnt * jnp.dot(x, we_ref[0:D, :], preferred_element_type=f32)
    ns = ns + jnp.dot(a2, we_ref[D:2 * D, :], preferred_element_type=f32)
    ns = ns + jnp.dot(a3, we_ref[2 * D:2 * D + DE, :], preferred_element_type=f32)
    ns = ns + cnt * be_ref[...]
    out = jnp.dot(x, wn_ref[0:D, :], preferred_element_type=f32)
    out = out + jnp.dot(ns, wn_ref[D:2 * D, :], preferred_element_type=f32)
    out_ref[...] = out + bn_ref[...]


def _combine(x, a2p, a3xp, W_edge, b_edge2, W_node, b_node2):
    r = _ROWS_PER_BLOCK
    return pl.pallas_call(
        _combine_body,
        grid=(_N_BLOCKS,),
        in_specs=[
            pl.BlockSpec((r, D), lambda i: (i, 0)),
            pl.BlockSpec((NC, r, D), lambda i: (0, i, 0)),
            pl.BlockSpec((NC, r, DX), lambda i: (0, i, 0)),
            pl.BlockSpec((2 * D + DE, D), lambda i: (0, 0)),
            pl.BlockSpec((1, D), lambda i: (0, 0)),
            pl.BlockSpec((2 * D, D), lambda i: (0, 0)),
            pl.BlockSpec((1, D), lambda i: (0, 0)),
        ],
        out_specs=pl.BlockSpec((r, D), lambda i: (i, 0)),
        out_shape=jax.ShapeDtypeStruct((N_NODES, D), jnp.float32),
    )(x, a2p, a3xp, W_edge, b_edge2, W_node, b_node2)


def kernel(node_features, edge_index, edge_attr, W_edge, b_edge, W_node, b_node):
    ei32 = edge_index.astype(jnp.int32)
    first = ei32[0].reshape(NW, K, C)
    fs = ei32.reshape(2, NW, K, C).transpose(1, 2, 0, 3)
    attrx = jnp.concatenate(
        [edge_attr, jnp.ones((N_EDGES, DX - DE), jnp.float32)], axis=1,
    ).reshape(NW, K, C, DX)
    zeros_d = jnp.zeros((RPT, D), jnp.float32)
    zeros_x = jnp.zeros((RPT, DX), jnp.float32)
    a2p = _SC_A2(node_features, fs, zeros_d)
    a3xp = _SC_A3CNT(first, attrx, zeros_x)
    nodes = _combine(node_features, a2p, a3xp, W_edge,
                     b_edge.reshape(1, D), W_node, b_node.reshape(1, D))
    return (nodes, edge_index, edge_attr)

# --- scband reference (transcript-rebuilt; emitter-appended) ---
"""Pipeline reference for scband-graph-convolution-45045617001162 (READ-ONLY COPY).

The authoritative reference and input builder live on the scoring server;
editing this copy changes nothing except your own understanding.
"""

import jax, jax.numpy as jnp
import numpy as np

N_NODES = 10000
N_EDGES = 320000
D_FEAT = 128
D_EDGE = 16


def setup_inputs(seed: int = 0) -> dict:
    key = jax.random.key(seed)
    k1, k2, k3, k4, k5, k6, k7 = jax.random.split(key, 7)
    node_features = jax.random.normal(k1, (N_NODES, D_FEAT), dtype=jnp.float32)
    edge_index = jax.random.randint(k2, (2, N_EDGES), 0, N_NODES, dtype=jnp.int64)
    edge_attr = jax.random.normal(k3, (N_EDGES, D_EDGE), dtype=jnp.float32)
    # phi_edge: Linear(2*D_FEAT + D_EDGE -> D_FEAT)
    d_in_edge = 2 * D_FEAT + D_EDGE
    W_edge = jax.random.normal(k4, (d_in_edge, D_FEAT), dtype=jnp.float32) / np.sqrt(d_in_edge)
    b_edge = jnp.zeros((D_FEAT,), dtype=jnp.float32)
    # phi_node: Linear(D_FEAT + D_FEAT -> D_FEAT)
    d_in_node = 2 * D_FEAT
    W_node = jax.random.normal(k5, (d_in_node, D_FEAT), dtype=jnp.float32) / np.sqrt(d_in_node)
    b_node = jnp.zeros((D_FEAT,), dtype=jnp.float32)
    return {
        "node_features": node_features,
        "edge_index": edge_index,
        "edge_attr": edge_attr,
        "W_edge": W_edge,
        "b_edge": b_edge,
        "W_node": W_node,
        "b_node": b_node,
    }


def reference(node_features, edge_index, edge_attr, W_edge, b_edge, W_node, b_node):
    first = edge_index[0]
    second = edge_index[1]
    # gather endpoint features (SparseCore gather)
    h_first = jnp.take(node_features, first, axis=0)
    h_second = jnp.take(node_features, second, axis=0)
    edges = jnp.concatenate([h_first, h_second, edge_attr], axis=1)
    edges = edges @ W_edge + b_edge  # phi_edge
    # unsorted_segment_sum over source node index (SparseCore scatter-add)
    neighbours_sum = jax.ops.segment_sum(edges, first, num_segments=node_features.shape[0])
    nodes = jnp.concatenate([node_features, neighbours_sum], axis=1)
    nodes = nodes @ W_node + b_node  # phi_node
    return (nodes, edge_index, edge_attr)

if __name__ == "__main__":
    import jax
    _d = setup_inputs()
    print(jax.jit(kernel)(*tuple(_d.values())))

</pallas_src>

<mosaic_0001>
#map = affine_map<(d0, d1) -> (0, 0)>
#map1 = affine_map<(d0, d1) -> (0, 0, 0, 0)>
#map2 = affine_map<(d0, d1) -> (0, 0, 0)>
module attributes {stable_mosaic.version = 14 : i64} {
  func.func @sc_a2(%arg0: i32, %arg1: i32, %arg2: memref<10000x128xf32, #tpu.memory_space<hbm>>, %arg3: memref<32x125x2x80xi32, #tpu.memory_space<hbm>>, %arg4: memref<640x128xf32, #tpu.memory_space<hbm>>, %arg5: memref<2x10240x128xf32, #tpu.memory_space<hbm>>, %arg6: memref<2x80xi32, #tpu.memory_space<vmem>>, %arg7: memref<2x80xi32, #tpu.memory_space<vmem>>, %arg8: memref<2x80xi32, #tpu.memory_space<vmem>>, %arg9: memref<80x128xf32, #tpu.memory_space<vmem>>, %arg10: memref<80x128xf32, #tpu.memory_space<vmem>>, %arg11: memref<80x128xf32, #tpu.memory_space<vmem>>, %arg12: memref<10240x128xf32, #tpu.memory_space<vmem_shared>>, %arg13: memref<!tpu.dma_semaphore, #tpu.memory_space<semaphore_mem>>, %arg14: memref<!tpu.dma_semaphore, #tpu.memory_space<semaphore_mem>>, %arg15: memref<!tpu.dma_semaphore, #tpu.memory_space<semaphore_mem>>, %arg16: memref<!tpu.dma_semaphore, #tpu.memory_space<semaphore_mem>>, %arg17: memref<!tpu.dma_semaphore, #tpu.memory_space<semaphore_mem>>, %arg18: memref<!tpu.dma_semaphore, #tpu.memory_space<semaphore_mem>>) attributes {dimension_semantics = [#tpu.dimension_semantics<core_parallel>, #tpu.dimension_semantics<subcore_parallel>], iteration_bounds = array<i64: 2, 16>, scalar_prefetch = 0 : i64, scratch_operands = 13 : i64, tpu.core_type = #tpu.core_type<sc_vector_subcore>, window_params = [{transform_indices = #map}, {transform_indices = #map1}, {transform_indices = #map}, {transform_indices = #map2}]} {
    %mul3A = arith.constant 2 : i32
    %mul3A_0 = arith.muli %arg1, %mul3A : i32
    %add3A = arith.addi %mul3A_0, %arg0 : i32
    %mul3A_1 = arith.constant 640 : i32
    %mul3A_2 = arith.muli %arg1, %mul3A_1 : i32
    %multiple_of3A = tpu.assume_multiple %mul3A_2, 8 : i32
    "tpu.region"() ({
      %run_scoped3A_63 = tpu.sem_alloc : memref<!tpu.dma_semaphore, #tpu.memory_space<semaphore_mem>>
      %dma_start3A_64 = arith.constant 0 : i32
      %dma_start3A_65 = tpu.memref_slice %arg12[%multiple_of3A, %dma_start3A_64] : memref<10240x128xf32, #tpu.memory_space<vmem_shared>> -> memref<640x128xf32, #tpu.memory_space<vmem_shared>>
      tpu.enqueue_dma source(%arg4 : memref<640x128xf32, #tpu.memory_space<hbm>>) target(%dma_start3A_65 : memref<640x128xf32, #tpu.memory_space<vmem_shared>>) target_semaphore(%run_scoped3A_63 : memref<!tpu.dma_semaphore, #tpu.memory_space<semaphore_mem>>)
      %dma_wait3A_66 = arith.constant 0 : i32
      %dma_wait3A_67 = tpu.memref_slice %arg12[%multiple_of3A, %dma_wait3A_66] : memref<10240x128xf32, #tpu.memory_space<vmem_shared>> -> memref<640x128xf32, #tpu.memory_space<vmem_shared>>
      tpu.wait_dma2 semaphore(%run_scoped3A_63 : memref<!tpu.dma_semaphore, #tpu.memory_space<semaphore_mem>>) src(%arg4 : memref<640x128xf32, #tpu.memory_space<hbm>>) dst(%dma_wait3A_67 : memref<640x128xf32, #tpu.memory_space<vmem_shared>>)
      tpu.yield
    }) : () -> ()
    %run_scoped3A = arith.constant 0 : i32
    "tpu.region"() ({
      %run_scoped3A_63 = tpu.sem_alloc : memref<!tpu.dma_semaphore, #tpu.memory_space<semaphore_mem>>
      %dma_start3A_64 = arith.constant 0 : i32
      %dma_start3A_65 = arith.constant 0 : i32
      %dma_start3A_66 = tpu.memref_slice %arg3[%add3A, %run_scoped3A, %dma_start3A_64, %dma_start3A_65] : memref<32x125x2x80xi32, #tpu.memory_space<hbm>> -> memref<1x1x2x80xi32, #tpu.memory_space<hbm>>
      %dma_start3A_67 = tpu.memref_squeeze %dma_start3A_66 : memref<1x1x2x80xi32, #tpu.memory_space<hbm>> -> memref<2x80xi32, #tpu.memory_space<hbm>>
      %dma_start3A_68 = arith.constant 0 : i32
      %dma_start3A_69 = arith.constant 0 : i32
      %dma_start3A_70 = tpu.memref_slice %arg3[%add3A, %run_scoped3A, %dma_start3A_68, %dma_start3A_69] : memref<32x125x2x80xi32, #tpu.memory_space<hbm>> -> memref<1x1x2x80xi32, #tpu.memory_space<hbm>>
      %dma_start3A_71 = tpu.memref_squeeze %dma_start3A_70 : memref<1x1x2x80xi32, #tpu.memory_space<hbm>> -> memref<2x80xi32, #tpu.memory_space<hbm>>
      tpu.enqueue_dma source(%dma_start3A_71 : memref<2x80xi32, #tpu.memory_space<hbm>>) target(%arg6 : memref<2x80xi32, #tpu.memory_space<vmem>>) target_semaphore(%run_scoped3A_63 : memref<!tpu.dma_semaphore, #tpu.memory_space<semaphore_mem>>)
      %dma_wait3A_72 = arith.constant 0 : i32
      %dma_wait3A_73 = arith.constant 0 : i32
      %dma_wait3A_74 = tpu.memref_slice %arg3[%add3A, %run_scoped3A, %dma_wait3A_72, %dma_wait3A_73] : memref<32x125x2x80xi32, #tpu.memory_space<hbm>> -> memref<1x1x2x80xi32, #tpu.memory_space<hbm>>
      %dma_wait3A_75 = tpu.memref_squeeze %dma_wait3A_74 : memref<1x1x2x80xi32, #tpu.memory_space<hbm>> -> memref<2x80xi32, #tpu.memory_space<hbm>>
      %dma_wait3A_76 = arith.constant 0 : i32
      %dma_wait3A_77 = arith.constant 0 : i32
      %dma_wait3A_78 = tpu.memref_slice %arg3[%add3A, %run_scoped3A, %dma_wait3A_76, %dma_wait3A_77] : memref<32x125x2x80xi32, #tpu.memory_space<hbm>> -> memref<1x1x2x80xi32, #tpu.memory_space<hbm>>
      %dma_wait3A_79 = tpu.memref_squeeze %dma_wait3A_78 : memref<1x1x2x80xi32, #tpu.memory_space<hbm>> -> memref<2x80xi32, #tpu.memory_space<hbm>>
      tpu.wait_dma2 semaphore(%run_scoped3A_63 : memref<!tpu.dma_semaphore, #tpu.memory_space<semaphore_mem>>) src(%dma_wait3A_79 : memref<2x80xi32, #tpu.memory_space<hbm>>) dst(%arg6 : memref<2x80xi32, #tpu.memory_space<vmem>>)
      tpu.yield
    }) : () -> ()
    %dma_start3A = arith.constant 1 : i32
    %dma_start3A_3 = arith.constant 0 : i32
    %dma_start3A_4 = arith.constant 0 : i32
    %dma_start3A_5 = tpu.memref_slice %arg3[%add3A, %dma_start3A, %dma_start3A_3, %dma_start3A_4] : memref<32x125x2x80xi32, #tpu.memory_space<hbm>> -> memref<1x1x2x80xi32, #tpu.memory_space<hbm>>
    %dma_start3A_6 = tpu.memref_squeeze %dma_start3A_5 : memref<1x1x2x80xi32, #tpu.memory_space<hbm>> -> memref<2x80xi32, #tpu.memory_space<hbm>>
    %dma_start3A_7 = arith.constant 0 : i32
    %dma_start3A_8 = arith.constant 0 : i32
    %dma_start3A_9 = tpu.memref_slice %arg3[%add3A, %dma_start3A, %dma_start3A_7, %dma_start3A_8] : memref<32x125x2x80xi32, #tpu.memory_space<hbm>> -> memref<1x1x2x80xi32, #tpu.memory_space<hbm>>
    %dma_start3A_10 = tpu.memref_squeeze %dma_start3A_9 : memref<1x1x2x80xi32, #tpu.memory_space<hbm>> -> memref<2x80xi32, #tpu.memory_space<hbm>>
    tpu.enqueue_dma source(%dma_start3A_10 : memref<2x80xi32, #tpu.memory_space<hbm>>) target(%arg7 : memref<2x80xi32, #tpu.memory_space<vmem>>) target_semaphore(%arg17 : memref<!tpu.dma_semaphore, #tpu.memory_space<semaphore_mem>>)
    %dma_start3A_11 = arith.constant 2 : i32
    %dma_start3A_12 = arith.constant 0 : i32
    %dma_start3A_13 = arith.constant 0 : i32
    %dma_start3A_14 = tpu.memref_slice %arg3[%add3A, %dma_start3A_11, %dma_start3A_12, %dma_start3A_13] : memref<32x125x2x80xi32, #tpu.memory_space<hbm>> -> memref<1x1x2x80xi32, #tpu.memory_space<hbm>>
    %dma_start3A_15 = tpu.memref_squeeze %dma_start3A_14 : memref<1x1x2x80xi32, #tpu.memory_space<hbm>> -> memref<2x80xi32, #tpu.memory_space<hbm>>
    %dma_start3A_16 = arith.constant 0 : i32
    %dma_start3A_17 = arith.constant 0 : i32
    %dma_start3A_18 = tpu.memref_slice %arg3[%add3A, %dma_start3A_11, %dma_start3A_16, %dma_start3A_17] : memref<32x125x2x80xi32, #tpu.memory_space<hbm>> -> memref<1x1x2x80xi32, #tpu.memory_space<hbm>>
    %dma_start3A_19 = tpu.memref_squeeze %dma_start3A_18 : memref<1x1x2x80xi32, #tpu.memory_space<hbm>> -> memref<2x80xi32, #tpu.memory_space<hbm>>
    tpu.enqueue_dma source(%dma_start3A_19 : memref<2x80xi32, #tpu.memory_space<hbm>>) target(%arg8 : memref<2x80xi32, #tpu.memory_space<vmem>>) target_semaphore(%arg18 : memref<!tpu.dma_semaphore, #tpu.memory_space<semaphore_mem>>)
    %dma_start3A_20 = arith.constant 1 : i32
    %dma_start3A_21 = arith.constant 0 : i32
    %dma_start3A_22 = tpu.memref_slice %arg6[%dma_start3A_20, %dma_start3A_21] : memref<2x80xi32, #tpu.memory_space<vmem>> -> memref<1x80xi32, #tpu.memory_space<vmem>>
    %dma_start3A_23 = tpu.memref_squeeze %dma_start3A_22 : memref<1x80xi32, #tpu.memory_space<vmem>> -> memref<80xi32, #tpu.memory_space<vmem>>
    %dma_start3A_24 = arith.constant 0 : i32
    %dma_start3A_25 = arith.constant 0 : i32
    %dma_start3A_26 = tpu.memref_slice %arg2[%dma_start3A_24, %dma_start3A_25] : memref<10000x128xf32, #tpu.memory_space<hbm>> -> memref<10000x128xf32, #tpu.memory_space<hbm>>
    tpu.enqueue_indirect_dma source(%dma_start3A_26 : memref<10000x128xf32, #tpu.memory_space<hbm>>) target(%arg9 : memref<80x128xf32, #tpu.memory_space<vmem>>) offsets(%dma_start3A_23 : memref<80xi32, #tpu.memory_space<vmem>>) semaphore(%arg13 : memref<!tpu.dma_semaphore, #tpu.memory_space<semaphore_mem>>)
    %dma_wait3A = arith.constant 1 : i32
    %dma_wait3A_27 = arith.constant 0 : i32
    %dma_wait3A_28 = arith.constant 0 : i32
    %dma_wait3A_29 = tpu.memref_slice %arg3[%add3A, %dma_wait3A, %dma_wait3A_27, %dma_wait3A_28] : memref<32x125x2x80xi32, #tpu.memory_space<hbm>> -> memref<1x1x2x80xi32, #tpu.memory_space<hbm>>
    %dma_wait3A_30 = tpu.memref_squeeze %dma_wait3A_29 : memref<1x1x2x80xi32, #tpu.memory_space<hbm>> -> memref<2x80xi32, #tpu.memory_space<hbm>>
    %dma_wait3A_31 = arith.constant 0 : i32
    %dma_wait3A_32 = arith.constant 0 : i32
    %dma_wait3A_33 = tpu.memref_slice %arg3[%add3A, %dma_wait3A, %dma_wait3A_31, %dma_wait3A_32] : memref<32x125x2x80xi32, #tpu.memory_space<hbm>> -> memref<1x1x2x80xi32, #tpu.memory_space<hbm>>
    %dma_wait3A_34 = tpu.memref_squeeze %dma_wait3A_33 : memref<1x1x2x80xi32, #tpu.memory_space<hbm>> -> memref<2x80xi32, #tpu.memory_space<hbm>>
    tpu.wait_dma2 semaphore(%arg17 : memref<!tpu.dma_semaphore, #tpu.memory_space<semaphore_mem>>) src(%dma_wait3A_34 : memref<2x80xi32, #tpu.memory_space<hbm>>) dst(%arg7 : memref<2x80xi32, #tpu.memory_space<vmem>>)
    %dma_start3A_35 = arith.constant 1 : i32
    %dma_start3A_36 = arith.constant 0 : i32
    %dma_start3A_37 = tpu.memref_slice %arg7[%dma_start3A_35, %dma_start3A_36] : memref<2x80xi32, #tpu.memory_space<vmem>> -> memref<1x80xi32, #tpu.memory_space<vmem>>
    %dma_start3A_38 = tpu.memref_squeeze %dma_start3A_37 : memref<1x80xi32, #tpu.memory_space<vmem>> -> memref<80xi32, #tpu.memory_space<vmem>>
    %dma_start3A_39 = arith.constant 0 : i32
    %dma_start3A_40 = arith.constant 0 : i32
    %dma_start3A_41 = tpu.memref_slice %arg2[%dma_start3A_39, %dma_start3A_40] : memref<10000x128xf32, #tpu.memory_space<hbm>> -> memref<10000x128xf32, #tpu.memory_space<hbm>>
    tpu.enqueue_indirect_dma source(%dma_start3A_41 : memref<10000x128xf32, #tpu.memory_space<hbm>>) target(%arg10 : memref<80x128xf32, #tpu.memory_space<vmem>>) offsets(%dma_start3A_38 : memref<80xi32, #tpu.memory_space<vmem>>) semaphore(%arg14 : memref<!tpu.dma_semaphore, #tpu.memory_space<semaphore_mem>>)
    %barrier3A = arith.constant 0 : index
    tpu.barrier barrier_id(%barrier3A)
    %scan3A = arith.constant 0 : i32
    %scan3A_42 = arith.constant 41 : i32
    %scan3A_43 = arith.addi %scan3A, %scan3A_42 : i32
    %scan3A_44 = arith.constant 1 : i32
    scf.for %scan3A_63 = %scan3A to %scan3A_43 step %scan3A_44  : i32 {
      %mul3A_64 = arith.constant 1 : i32
      %mul3A_65 = arith.muli %scan3A_63, %mul3A_64 : i32
      %add3A_66 = arith.constant 0 : i32
      %add3A_67 = arith.addi %add3A_66, %mul3A_65 : i32
      %mul3A_68 = arith.constant 3 : i32
      %mul3A_69 = arith.muli %mul3A_68, %add3A_67 : i32
      %dma_wait3A_70 = arith.constant 1 : i32
      %dma_wait3A_71 = arith.constant 0 : i32
      %dma_wait3A_72 = tpu.memref_slice %arg6[%dma_wait3A_70, %dma_wait3A_71] : memref<2x80xi32, #tpu.memory_space<vmem>> -> memref<1x80xi32, #tpu.memory_space<vmem>>
      %dma_wait3A_73 = tpu.memref_squeeze %dma_wait3A_72 : memref<1x80xi32, #tpu.memory_space<vmem>> -> memref<80xi32, #tpu.memory_space<vmem>>
      %dma_wait3A_74 = arith.constant 0 : i32
      %dma_wait3A_75 = arith.constant 0 : i32
      %dma_wait3A_76 = tpu.memref_slice %arg2[%dma_wait3A_74, %dma_wait3A_75] : memref<10000x128xf32, #tpu.memory_space<hbm>> -> memref<10000x128xf32, #tpu.memory_space<hbm>>
      tpu.wait_indirect_dma semaphore(%arg13 : memref<!tpu.dma_semaphore, #tpu.memory_space<semaphore_mem>>) src(%dma_wait3A_76 : memref<10000x128xf32, #tpu.memory_space<hbm>>) dst(%arg9 : memref<80x128xf32, #tpu.memory_space<vmem>>)
      %run_scoped3A_77 = arith.constant 0 : i32
      "tpu.region"() ({
        %run_scoped3A_167 = tpu.sem_alloc : memref<!tpu.dma_semaphore, #tpu.memory_space<semaphore_mem>>
        %dma_start3A_168 = arith.constant 0 : i32
        %dma_start3A_169 = tpu.memref_slice %arg6[%run_scoped3A_77, %dma_start3A_168] : memref<2x80xi32, #tpu.memory_space<vmem>> -> memref<1x80xi32, #tpu.memory_space<vmem>>
        %dma_start3A_170 = tpu.memref_squeeze %dma_start3A_169 : memref<1x80xi32, #tpu.memory_space<vmem>> -> memref<80xi32, #tpu.memory_space<vmem>>
        %dma_start3A_171 = arith.constant 0 : i32
        %dma_start3A_172 = arith.constant 0 : i32
        %dma_start3A_173 = tpu.memref_slice %arg12[%dma_start3A_171, %dma_start3A_172] : memref<10240x128xf32, #tpu.memory_space<vmem_shared>> -> memref<10240x128xf32, #tpu.memory_space<vmem_shared>>
        tpu.enqueue_indirect_dma source(%arg9 : memref<80x128xf32, #tpu.memory_space<vmem>>) target(%dma_start3A_173 : memref<10240x128xf32, #tpu.memory_space<vmem_shared>>) offsets(%dma_start3A_170 : memref<80xi32, #tpu.memory_space<vmem>>) semaphore(%run_scoped3A_167 : memref<!tpu.dma_semaphore, #tpu.memory_space<semaphore_mem>>) {add = true}
        %dma_wait3A_174 = arith.constant 0 : i32
        %dma_wait3A_175 = tpu.memref_slice %arg6[%run_scoped3A_77, %dma_wait3A_174] : memref<2x80xi32, #tpu.memory_space<vmem>> -> memref<1x80xi32, #tpu.memory_space<vmem>>
        %dma_wait3A_176 = tpu.memref_squeeze %dma_wait3A_175 : memref<1x80xi32, #tpu.memory_space<vmem>> -> memref<80xi32, #tpu.memory_space<vmem>>
        %dma_wait3A_177 = arith.constant 0 : i32
        %dma_wait3A_178 = arith.constant 0 : i32
        %dma_wait3A_179 = tpu.memref_slice %arg12[%dma_wait3A_177, %dma_wait3A_178] : memref<10240x128xf32, #tpu.memory_space<vmem_shared>> -> memref<10240x128xf32, #tpu.memory_space<vmem_shared>>
        tpu.wait_indirect_dma semaphore(%run_scoped3A_167 : memref<!tpu.dma_semaphore, #tpu.memory_space<semaphore_mem>>) src(%arg9 : memref<80x128xf32, #tpu.memory_space<vmem>>) dst(%dma_wait3A_179 : memref<10240x128xf32, #tpu.memory_space<vmem_shared>>)
        tpu.yield
      }) : () -> ()
      %add3A_78 = arith.constant 2 : i32
      %add3A_79 = arith.addi %mul3A_69, %add3A_78 : i32
      %dma_wait3A_80 = arith.constant 0 : i32
      %dma_wait3A_81 = arith.constant 0 : i32
      %dma_wait3A_82 = tpu.memref_slice %arg3[%add3A, %add3A_79, %dma_wait3A_80, %dma_wait3A_81] : memref<32x125x2x80xi32, #tpu.memory_space<hbm>> -> memref<1x1x2x80xi32, #tpu.memory_space<hbm>>
      %dma_wait3A_83 = tpu.memref_squeeze %dma_wait3A_82 : memref<1x1x2x80xi32, #tpu.memory_space<hbm>> -> memref<2x80xi32, #tpu.memory_space<hbm>>
      %dma_wait3A_84 = arith.constant 0 : i32
      %dma_wait3A_85 = arith.constant 0 : i32
      %dma_wait3A_86 = tpu.memref_slice %arg3[%add3A, %add3A_79, %dma_wait3A_84, %dma_wait3A_85] : memref<32x125x2x80xi32, #tpu.memory_space<hbm>> -> memref<1x1x2x80xi32, #tpu.memory_space<hbm>>
      %dma_wait3A_87 = tpu.memref_squeeze %dma_wait3A_86 : memref<1x1x2x80xi32, #tpu.memory_space<hbm>> -> memref<2x80xi32, #tpu.memory_space<hbm>>
      tpu.wait_dma2 semaphore(%arg18 : memref<!tpu.dma_semaphore, #tpu.memory_space<semaphore_mem>>) src(%dma_wait3A_87 : memref<2x80xi32, #tpu.memory_space<hbm>>) dst(%arg8 : memref<2x80xi32, #tpu.memory_space<vmem>>)
      %dma_start3A_88 = arith.constant 1 : i32
      %dma_start3A_89 = arith.constant 0 : i32
      %dma_start3A_90 = tpu.memref_slice %arg8[%dma_start3A_88, %dma_start3A_89] : memref<2x80xi32, #tpu.memory_space<vmem>> -> memref<1x80xi32, #tpu.memory_space<vmem>>
      %dma_start3A_91 = tpu.memref_squeeze %dma_start3A_90 : memref<1x80xi32, #tpu.memory_space<vmem>> -> memref<80xi32, #tpu.memory_space<vmem>>
      %dma_start3A_92 = arith.constant 0 : i32
      %dma_start3A_93 = arith.constant 0 : i32
      %dma_start3A_94 = tpu.memref_slice %arg2[%dma_start3A_92, %dma_start3A_93] : memref<10000x128xf32, #tpu.memory_space<hbm>> -> memref<10000x128xf32, #tpu.memory_space<hbm>>
      tpu.enqueue_indirect_dma source(%dma_start3A_94 : memref<10000x128xf32, #tpu.memory_space<hbm>>) target(%arg11 : memref<80x128xf32, #tpu.memory_space<vmem>>) offsets(%dma_start3A_91 : memref<80xi32, #tpu.memory_space<vmem>>) semaphore(%arg15 : memref<!tpu.dma_semaphore, #tpu.memory_space<semaphore_mem>>)
      %add3A_95 = arith.constant 3 : i32
      %add3A_96 = arith.addi %mul3A_69, %add3A_95 : i32
      %lt3A = arith.constant 125 : i32
      %lt3A_97 = arith.cmpi slt, %add3A_96, %lt3A : i32
      %convert_element_type3A = arith.extui %lt3A_97 : i1 to i32
      %cond3A = arith.constant 0 : i32
      %cond3A_98 = arith.cmpi ne, %convert_element_type3A, %cond3A : i32
      scf.if %cond3A_98 {
        %add3A_167 = arith.constant 3 : i32
        %add3A_168 = arith.addi %mul3A_69, %add3A_167 : i32
        %dma_start3A_169 = arith.constant 0 : i32
        %dma_start3A_170 = arith.constant 0 : i32
        %dma_start3A_171 = tpu.memref_slice %arg3[%add3A, %add3A_168, %dma_start3A_169, %dma_start3A_170] : memref<32x125x2x80xi32, #tpu.memory_space<hbm>> -> memref<1x1x2x80xi32, #tpu.memory_space<hbm>>
        %dma_start3A_172 = tpu.memref_squeeze %dma_start3A_171 : memref<1x1x2x80xi32, #tpu.memory_space<hbm>> -> memref<2x80xi32, #tpu.memory_space<hbm>>
        %dma_start3A_173 = arith.constant 0 : i32
        %dma_start3A_174 = arith.constant 0 : i32
        %dma_start3A_175 = tpu.memref_slice %arg3[%add3A, %add3A_168, %dma_start3A_173, %dma_start3A_174] : memref<32x125x2x80xi32, #tpu.memory_space<hbm>> -> memref<1x1x2x80xi32, #tpu.memory_space<hbm>>
        %dma_start3A_176 = tpu.memref_squeeze %dma_start3A_175 : memref<1x1x2x80xi32, #tpu.memory_space<hbm>> -> memref<2x80xi32, #tpu.memory_space<hbm>>
        tpu.enqueue_dma source(%dma_start3A_176 : memref<2x80xi32, #tpu.memory_space<hbm>>) target(%arg6 : memref<2x80xi32, #tpu.memory_space<vmem>>) target_semaphore(%arg16 : memref<!tpu.dma_semaphore, #tpu.memory_space<semaphore_mem>>)
      } else {
      }
      %add3A_99 = arith.constant 1 : i32
      %add3A_100 = arith.addi %mul3A_69, %add3A_99 : i32
      %dma_wait3A_101 = arith.constant 1 : i32
      %dma_wait3A_102 = arith.constant 0 : i32
      %dma_wait3A_103 = tpu.memref_slice %arg7[%dma_wait3A_101, %dma_wait3A_102] : memref<2x80xi32, #tpu.memory_space<vmem>> -> memref<1x80xi32, #tpu.memory_space<vmem>>
      %dma_wait3A_104 = tpu.memref_squeeze %dma_wait3A_103 : memref<1x80xi32, #tpu.memory_space<vmem>> -> memref<80xi32, #tpu.memory_space<vmem>>
      %dma_wait3A_105 = arith.constant 0 : i32
      %dma_wait3A_106 = arith.constant 0 : i32
      %dma_wait3A_107 = tpu.memref_slice %arg2[%dma_wait3A_105, %dma_wait3A_106] : memref<10000x128xf32, #tpu.memory_space<hbm>> -> memref<10000x128xf32, #tpu.memory_space<hbm>>
      tpu.wait_indirect_dma semaphore(%arg14 : memref<!tpu.dma_semaphore, #tpu.memory_space<semaphore_mem>>) src(%dma_wait3A_107 : memref<10000x128xf32, #tpu.memory_space<hbm>>) dst(%arg10 : memref<80x128xf32, #tpu.memory_space<vmem>>)
      %run_scoped3A_108 = arith.constant 0 : i32
      "tpu.region"() ({
        %run_scoped3A_167 = tpu.sem_alloc : memref<!tpu.dma_semaphore, #tpu.memory_space<semaphore_mem>>
        %dma_start3A_168 = arith.constant 0 : i32
        %dma_start3A_169 = tpu.memref_slice %arg7[%run_scoped3A_108, %dma_start3A_168] : memref<2x80xi32, #tpu.memory_space<vmem>> -> memref<1x80xi32, #tpu.memory_space<vmem>>
        %dma_start3A_170 = tpu.memref_squeeze %dma_start3A_169 : memref<1x80xi32, #tpu.memory_space<vmem>> -> memref<80xi32, #tpu.memory_space<vmem>>
        %dma_start3A_171 = arith.constant 0 : i32
        %dma_start3A_172 = arith.constant 0 : i32
        %dma_start3A_173 = tpu.memref_slice %arg12[%dma_start3A_171, %dma_start3A_172] : memref<10240x128xf32, #tpu.memory_space<vmem_shared>> -> memref<10240x128xf32, #tpu.memory_space<vmem_shared>>
        tpu.enqueue_indirect_dma source(%arg10 : memref<80x128xf32, #tpu.memory_space<vmem>>) target(%dma_start3A_173 : memref<10240x128xf32, #tpu.memory_space<vmem_shared>>) offsets(%dma_start3A_170 : memref<80xi32, #tpu.memory_space<vmem>>) semaphore(%run_scoped3A_167 : memref<!tpu.dma_semaphore, #tpu.memory_space<semaphore_mem>>) {add = true}
        %dma_wait3A_174 = arith.constant 0 : i32
        %dma_wait3A_175 = tpu.memref_slice %arg7[%run_scoped3A_108, %dma_wait3A_174] : memref<2x80xi32, #tpu.memory_space<vmem>> -> memref<1x80xi32, #tpu.memory_space<vmem>>
        %dma_wait3A_176 = tpu.memref_squeeze %dma_wait3A_175 : memref<1x80xi32, #tpu.memory_space<vmem>> -> memref<80xi32, #tpu.memory_space<vmem>>
        %dma_wait3A_177 = arith.constant 0 : i32
        %dma_wait3A_178 = arith.constant 0 : i32
        %dma_wait3A_179 = tpu.memref_slice %arg12[%dma_wait3A_177, %dma_wait3A_178] : memref<10240x128xf32, #tpu.memory_space<vmem_shared>> -> memref<10240x128xf32, #tpu.memory_space<vmem_shared>>
        tpu.wait_indirect_dma semaphore(%run_scoped3A_167 : memref<!tpu.dma_semaphore, #tpu.memory_space<semaphore_mem>>) src(%arg10 : memref<80x128xf32, #tpu.memory_space<vmem>>) dst(%dma_wait3A_179 : memref<10240x128xf32, #tpu.memory_space<vmem_shared>>)
        tpu.yield
      }) : () -> ()
      %add3A_109 = arith.constant 2 : i32
      %add3A_110 = arith.addi %add3A_100, %add3A_109 : i32
      %dma_wait3A_111 = arith.constant 0 : i32
      %dma_wait3A_112 = arith.constant 0 : i32
      %dma_wait3A_113 = tpu.memref_slice %arg3[%add3A, %add3A_110, %dma_wait3A_111, %dma_wait3A_112] : memref<32x125x2x80xi32, #tpu.memory_space<hbm>> -> memref<1x1x2x80xi32, #tpu.memory_space<hbm>>
      %dma_wait3A_114 = tpu.memref_squeeze %dma_wait3A_113 : memref<1x1x2x80xi32, #tpu.memory_space<hbm>> -> memref<2x80xi32, #tpu.memory_space<hbm>>
      %dma_wait3A_115 = arith.constant 0 : i32
      %dma_wait3A_116 = arith.constant 0 : i32
      %dma_wait3A_117 = tpu.memref_slice %arg3[%add3A, %add3A_110, %dma_wait3A_115, %dma_wait3A_116] : memref<32x125x2x80xi32, #tpu.memory_space<hbm>> -> memref<1x1x2x80xi32, #tpu.memory_space<hbm>>
      %dma_wait3A_118 = tpu.memref_squeeze %dma_wait3A_117 : memref<1x1x2x80xi32, #tpu.memory_space<hbm>> -> memref<2x80xi32, #tpu.memory_space<hbm>>
      tpu.wait_dma2 semaphore(%arg16 : memref<!tpu.dma_semaphore, #tpu.memory_space<semaphore_mem>>) src(%dma_wait3A_118 : memref<2x80xi32, #tpu.memory_space<hbm>>) dst(%arg6 : memref<2x80xi32, #tpu.memory_space<vmem>>)
      %dma_start3A_119 = arith.constant 1 : i32
      %dma_start3A_120 = arith.constant 0 : i32
      %dma_start3A_121 = tpu.memref_slice %arg6[%dma_start3A_119, %dma_start3A_120] : memref<2x80xi32, #tpu.memory_space<vmem>> -> memref<1x80xi32, #tpu.memory_space<vmem>>
      %dma_start3A_122 = tpu.memref_squeeze %dma_start3A_121 : memref<1x80xi32, #tpu.memory_space<vmem>> -> memref<80xi32, #tpu.memory_space<vmem>>
      %dma_start3A_123 = arith.constant 0 : i32
      %dma_start3A_124 = arith.constant 0 : i32
      %dma_start3A_125 = tpu.memref_slice %arg2[%dma_start3A_123, %dma_start3A_124] : memref<10000x128xf32, #tpu.memory_space<hbm>> -> memref<10000x128xf32, #tpu.memory_space<hbm>>
      tpu.enqueue_indirect_dma source(%dma_start3A_125 : memref<10000x128xf32, #tpu.memory_space<hbm>>) target(%arg9 : memref<80x128xf32, #tpu.memory_space<vmem>>) offsets(%dma_start3A_122 : memref<80xi32, #tpu.memory_space<vmem>>) semaphore(%arg13 : memref<!tpu.dma_semaphore, #tpu.memory_space<semaphore_mem>>)
      %add3A_126 = arith.constant 3 : i32
      %add3A_127 = arith.addi %add3A_100, %add3A_126 : i32
      %lt3A_128 = arith.constant 125 : i32
      %lt3A_129 = arith.cmpi slt, %add3A_127, %lt3A_128 : i32
      %convert_element_type3A_130 = arith.extui %lt3A_129 : i1 to i32
      %cond3A_131 = arith.constant 0 : i32
      %cond3A_132 = arith.cmpi ne, %convert_element_type3A_130, %cond3A_131 : i32
      scf.if %cond3A_132 {
        %add3A_167 = arith.constant 3 : i32
        %add3A_168 = arith.addi %add3A_100, %add3A_167 : i32
        %dma_start3A_169 = arith.constant 0 : i32
        %dma_start3A_170 = arith.constant 0 : i32
        %dma_start3A_171 = tpu.memref_slice %arg3[%add3A, %add3A_168, %dma_start3A_169, %dma_start3A_170] : memref<32x125x2x80xi32, #tpu.memory_space<hbm>> -> memref<1x1x2x80xi32, #tpu.memory_space<hbm>>
        %dma_start3A_172 = tpu.memref_squeeze %dma_start3A_171 : memref<1x1x2x80xi32, #tpu.memory_space<hbm>> -> memref<2x80xi32, #tpu.memory_space<hbm>>
        %dma_start3A_173 = arith.constant 0 : i32
        %dma_start3A_174 = arith.constant 0 : i32
        %dma_start3A_175 = tpu.memref_slice %arg3[%add3A, %add3A_168, %dma_start3A_173, %dma_start3A_174] : memref<32x125x2x80xi32, #tpu.memory_space<hbm>> -> memref<1x1x2x80xi32, #tpu.memory_space<hbm>>
        %dma_start3A_176 = tpu.memref_squeeze %dma_start3A_175 : memref<1x1x2x80xi32, #tpu.memory_space<hbm>> -> memref<2x80xi32, #tpu.memory_space<hbm>>
        tpu.enqueue_dma source(%dma_start3A_176 : memref<2x80xi32, #tpu.memory_space<hbm>>) target(%arg7 : memref<2x80xi32, #tpu.memory_space<vmem>>) target_semaphore(%arg17 : memref<!tpu.dma_semaphore, #tpu.memory_space<semaphore_mem>>)
      } else {
      }
      %add3A_133 = arith.constant 2 : i32
      %add3A_134 = arith.addi %mul3A_69, %add3A_133 : i32
      %dma_wait3A_135 = arith.constant 1 : i32
      %dma_wait3A_136 = arith.constant 0 : i32
      %dma_wait3A_137 = tpu.memref_slice %arg8[%dma_wait3A_135, %dma_wait3A_136] : memref<2x80xi32, #tpu.memory_space<vmem>> -> memref<1x80xi32, #tpu.memory_space<vmem>>
      %dma_wait3A_138 = tpu.memref_squeeze %dma_wait3A_137 : memref<1x80xi32, #tpu.memory_space<vmem>> -> memref<80xi32, #tpu.memory_space<vmem>>
      %dma_wait3A_139 = arith.constant 0 : i32
      %dma_wait3A_140 = arith.constant 0 : i32
      %dma_wait3A_141 = tpu.memref_slice %arg2[%dma_wait3A_139, %dma_wait3A_140] : memref<10000x128xf32, #tpu.memory_space<hbm>> -> memref<10000x128xf32, #tpu.memory_space<hbm>>
      tpu.wait_indirect_dma semaphore(%arg15 : memref<!tpu.dma_semaphore, #tpu.memory_space<semaphore_mem>>) src(%dma_wait3A_141 : memref<10000x128xf32, #tpu.memory_space<hbm>>) dst(%arg11 : memref<80x128xf32, #tpu.memory_space<vmem>>)
      %run_scoped3A_142 = arith.constant 0 : i32
      "tpu.region"() ({
        %run_scoped3A_167 = tpu.sem_alloc : memref<!tpu.dma_semaphore, #tpu.memory_space<semaphore_mem>>
        %dma_start3A_168 = arith.constant 0 : i32
        %dma_start3A_169 = tpu.memref_slice %arg8[%run_scoped3A_142, %dma_start3A_168] : memref<2x80xi32, #tpu.memory_space<vmem>> -> memref<1x80xi32, #tpu.memory_space<vmem>>
        %dma_start3A_170 = tpu.memref_squeeze %dma_start3A_169 : memref<1x80xi32, #tpu.memory_space<vmem>> -> memref<80xi32, #tpu.memory_space<vmem>>
        %dma_start3A_171 = arith.constant 0 : i32
        %dma_start3A_172 = arith.constant 0 : i32
        %dma_start3A_173 = tpu.memref_slice %arg12[%dma_start3A_171, %dma_start3A_172] : memref<10240x128xf32, #tpu.memory_space<vmem_shared>> -> memref<10240x128xf32, #tpu.memory_space<vmem_shared>>
        tpu.enqueue_indirect_dma source(%arg11 : memref<80x128xf32, #tpu.memory_space<vmem>>) target(%dma_start3A_173 : memref<10240x128xf32, #tpu.memory_space<vmem_shared>>) offsets(%dma_start3A_170 : memref<80xi32, #tpu.memory_space<vmem>>) semaphore(%run_scoped3A_167 : memref<!tpu.dma_semaphore, #tpu.memory_space<semaphore_mem>>) {add = true}
        %dma_wait3A_174 = arith.constant 0 : i32
        %dma_wait3A_175 = tpu.memref_slice %arg8[%run_scoped3A_142, %dma_wait3A_174] : memref<2x80xi32, #tpu.memory_space<vmem>> -> memref<1x80xi32, #tpu.memory_space<vmem>>
        %dma_wait3A_176 = tpu.memref_squeeze %dma_wait3A_175 : memref<1x80xi32, #tpu.memory_space<vmem>> -> memref<80xi32, #tpu.memory_space<vmem>>
        %dma_wait3A_177 = arith.constant 0 : i32
        %dma_wait3A_178 = arith.constant 0 : i32
        %dma_wait3A_179 = tpu.memref_slice %arg12[%dma_wait3A_177, %dma_wait3A_178] : memref<10240x128xf32, #tpu.memory_space<vmem_shared>> -> memref<10240x128xf32, #tpu.memory_space<vmem_shared>>
        tpu.wait_indirect_dma semaphore(%run_scoped3A_167 : memref<!tpu.dma_semaphore, #tpu.memory_space<semaphore_mem>>) src(%arg11 : memref<80x128xf32, #tpu.memory_space<vmem>>) dst(%dma_wait3A_179 : memref<10240x128xf32, #tpu.memory_space<vmem_shared>>)
        tpu.yield
      }) : () -> ()
      %add3A_143 = arith.constant 2 : i32
      %add3A_144 = arith.addi %add3A_134, %add3A_143 : i32
      %dma_wait3A_145 = arith.constant 0 : i32
      %dma_wait3A_146 = arith.constant 0 : i32
      %dma_wait3A_147 = tpu.memref_slice %arg3[%add3A, %add3A_144, %dma_wait3A_145, %dma_wait3A_146] : memref<32x125x2x80xi32, #tpu.memory_space<hbm>> -> memref<1x1x2x80xi32, #tpu.memory_space<hbm>>
      %dma_wait3A_148 = tpu.memref_squeeze %dma_wait3A_147 : memref<1x1x2x80xi32, #tpu.memory_space<hbm>> -> memref<2x80xi32, #tpu.memory_space<hbm>>
      %dma_wait3A_149 = arith.constant 0 : i32
      %dma_wait3A_150 = arith.constant 0 : i32
      %dma_wait3A_151 = tpu.memref_slice %arg3[%add3A, %add3A_144, %dma_wait3A_149, %dma_wait3A_150] : memref<32x125x2x80xi32, #tpu.memory_space<hbm>> -> memref<1x1x2x80xi32, #tpu.memory_space<hbm>>
      %dma_wait3A_152 = tpu.memref_squeeze %dma_wait3A_151 : memref<1x1x2x80xi32, #tpu.memory_space<hbm>> -> memref<2x80xi32, #tpu.memory_space<hbm>>
      tpu.wait_dma2 semaphore(%arg17 : memref<!tpu.dma_semaphore, #tpu.memory_space<semaphore_mem>>) src(%dma_wait3A_152 : memref<2x80xi32, #tpu.memory_space<hbm>>) dst(%arg7 : memref<2x80xi32, #tpu.memory_space<vmem>>)
      %dma_start3A_153 = arith.constant 1 : i32
      %dma_start3A_154 = arith.constant 0 : i32
      %dma_start3A_155 = tpu.memref_slice %arg7[%dma_start3A_153, %dma_start3A_154] : memref<2x80xi32, #tpu.memory_space<vmem>> -> memref<1x80xi32, #tpu.memory_space<vmem>>
      %dma_start3A_156 = tpu.memref_squeeze %dma_start3A_155 : memref<1x80xi32, #tpu.memory_space<vmem>> -> memref<80xi32, #tpu.memory_space<vmem>>
      %dma_start3A_157 = arith.constant 0 : i32
      %dma_start3A_158 = arith.constant 0 : i32
      %dma_start3A_159 = tpu.memref_slice %arg2[%dma_start3A_157, %dma_start3A_158] : memref<10000x128xf32, #tpu.memory_space<hbm>> -> memref<10000x128xf32, #tpu.memory_space<hbm>>
      tpu.enqueue_indirect_dma source(%dma_start3A_159 : memref<10000x128xf32, #tpu.memory_space<hbm>>) target(%arg10 : memref<80x128xf32, #tpu.memory_space<vmem>>) offsets(%dma_start3A_156 : memref<80xi32, #tpu.memory_space<vmem>>) semaphore(%arg14 : memref<!tpu.dma_semaphore, #tpu.memory_space<semaphore_mem>>)
      %add3A_160 = arith.constant 3 : i32
      %add3A_161 = arith.addi %add3A_134, %add3A_160 : i32
      %lt3A_162 = arith.constant 125 : i32
      %lt3A_163 = arith.cmpi slt, %add3A_161, %lt3A_162 : i32
      %convert_element_type3A_164 = arith.extui %lt3A_163 : i1 to i32
      %cond3A_165 = arith.constant 0 : i32
      %cond3A_166 = arith.cmpi ne, %convert_element_type3A_164, %cond3A_165 : i32
      scf.if %cond3A_166 {
        %add3A_167 = arith.constant 3 : i32
        %add3A_168 = arith.addi %add3A_134, %add3A_167 : i32
        %dma_start3A_169 = arith.constant 0 : i32
        %dma_start3A_170 = arith.constant 0 : i32
        %dma_start3A_171 = tpu.memref_slice %arg3[%add3A, %add3A_168, %dma_start3A_169, %dma_start3A_170] : memref<32x125x2x80xi32, #tpu.memory_space<hbm>> -> memref<1x1x2x80xi32, #tpu.memory_space<hbm>>
        %dma_start3A_172 = tpu.memref_squeeze %dma_start3A_171 : memref<1x1x2x80xi32, #tpu.memory_space<hbm>> -> memref<2x80xi32, #tpu.memory_space<hbm>>
        %dma_start3A_173 = arith.constant 0 : i32
        %dma_start3A_174 = arith.constant 0 : i32
        %dma_start3A_175 = tpu.memref_slice %arg3[%add3A, %add3A_168, %dma_start3A_173, %dma_start3A_174] : memref<32x125x2x80xi32, #tpu.memory_space<hbm>> -> memref<1x1x2x80xi32, #tpu.memory_space<hbm>>
        %dma_start3A_176 = tpu.memref_squeeze %dma_start3A_175 : memref<1x1x2x80xi32, #tpu.memory_space<hbm>> -> memref<2x80xi32, #tpu.memory_space<hbm>>
        tpu.enqueue_dma source(%dma_start3A_176 : memref<2x80xi32, #tpu.memory_space<hbm>>) target(%arg8 : memref<2x80xi32, #tpu.memory_space<vmem>>) target_semaphore(%arg18 : memref<!tpu.dma_semaphore, #tpu.memory_space<semaphore_mem>>)
      } else {
      }
    }
    %scan3A_45 = arith.constant 41 : i32
    %dma_wait3A_46 = arith.constant 1 : i32
    %dma_wait3A_47 = arith.constant 0 : i32
    %dma_wait3A_48 = tpu.memref_slice %arg6[%dma_wait3A_46, %dma_wait3A_47] : memref<2x80xi32, #tpu.memory_space<vmem>> -> memref<1x80xi32, #tpu.memory_space<vmem>>
    %dma_wait3A_49 = tpu.memref_squeeze %dma_wait3A_48 : memref<1x80xi32, #tpu.memory_space<vmem>> -> memref<80xi32, #tpu.memory_space<vmem>>
    %dma_wait3A_50 = arith.constant 0 : i32
    %dma_wait3A_51 = arith.constant 0 : i32
    %dma_wait3A_52 = tpu.memref_slice %arg2[%dma_wait3A_50, %dma_wait3A_51] : memref<10000x128xf32, #tpu.memory_space<hbm>> -> memref<10000x128xf32, #tpu.memory_space<hbm>>
    tpu.wait_indirect_dma semaphore(%arg13 : memref<!tpu.dma_semaphore, #tpu.memory_space<semaphore_mem>>) src(%dma_wait3A_52 : memref<10000x128xf32, #tpu.memory_space<hbm>>) dst(%arg9 : memref<80x128xf32, #tpu.memory_space<vmem>>)
    %run_scoped3A_53 = arith.constant 0 : i32
    "tpu.region"() ({
      %run_scoped3A_63 = tpu.sem_alloc : memref<!tpu.dma_semaphore, #tpu.memory_space<semaphore_mem>>
      %dma_start3A_64 = arith.constant 0 : i32
      %dma_start3A_65 = tpu.memref_slice %arg6[%run_scoped3A_53, %dma_start3A_64] : memref<2x80xi32, #tpu.memory_space<vmem>> -> memref<1x80xi32, #tpu.memory_space<vmem>>
      %dma_start3A_66 = tpu.memref_squeeze %dma_start3A_65 : memref<1x80xi32, #tpu.memory_space<vmem>> -> memref<80xi32, #tpu.memory_space<vmem>>
      %dma_start3A_67 = arith.constant 0 : i32
      %dma_start3A_68 = arith.constant 0 : i32
      %dma_start3A_69 = tpu.memref_slice %arg12[%dma_start3A_67, %dma_start3A_68] : memref<10240x128xf32, #tpu.memory_space<vmem_shared>> -> memref<10240x128xf32, #tpu.memory_space<vmem_shared>>
      tpu.enqueue_indirect_dma source(%arg9 : memref<80x128xf32, #tpu.memory_space<vmem>>) target(%dma_start3A_69 : memref<10240x128xf32, #tpu.memory_space<vmem_shared>>) offsets(%dma_start3A_66 : memref<80xi32, #tpu.memory_space<vmem>>) semaphore(%run_scoped3A_63 : memref<!tpu.dma_semaphore, #tpu.memory_space<semaphore_mem>>) {add = true}
      %dma_wait3A_70 = arith.constant 0 : i32
      %dma_wait3A_71 = tpu.memref_slice %arg6[%run_scoped3A_53, %dma_wait3A_70] : memref<2x80xi32, #tpu.memory_space<vmem>> -> memref<1x80xi32, #tpu.memory_space<vmem>>
      %dma_wait3A_72 = tpu.memref_squeeze %dma_wait3A_71 : memref<1x80xi32, #tpu.memory_space<vmem>> -> memref<80xi32, #tpu.memory_space<vmem>>
      %dma_wait3A_73 = arith.constant 0 : i32
      %dma_wait3A_74 = arith.constant 0 : i32
      %dma_wait3A_75 = tpu.memref_slice %arg12[%dma_wait3A_73, %dma_wait3A_74] : memref<10240x128xf32, #tpu.memory_space<vmem_shared>> -> memref<10240x128xf32, #tpu.memory_space<vmem_shared>>
      tpu.wait_indirect_dma semaphore(%run_scoped3A_63 : memref<!tpu.dma_semaphore, #tpu.memory_space<semaphore_mem>>) src(%arg9 : memref<80x128xf32, #tpu.memory_space<vmem>>) dst(%dma_wait3A_75 : memref<10240x128xf32, #tpu.memory_space<vmem_shared>>)
      tpu.yield
    }) : () -> ()
    %dma_wait3A_54 = arith.constant 1 : i32
    %dma_wait3A_55 = arith.constant 0 : i32
    %dma_wait3A_56 = tpu.memref_slice %arg7[%dma_wait3A_54, %dma_wait3A_55] : memref<2x80xi32, #tpu.memory_space<vmem>> -> memref<1x80xi32, #tpu.memory_space<vmem>>
    %dma_wait3A_57 = tpu.memref_squeeze %dma_wait3A_56 : memref<1x80xi32, #tpu.memory_space<vmem>> -> memref<80xi32, #tpu.memory_space<vmem>>
    %dma_wait3A_58 = arith.constant 0 : i32
    %dma_wait3A_59 = arith.constant 0 : i32
    %dma_wait3A_60 = tpu.memref_slice %arg2[%dma_wait3A_58, %dma_wait3A_59] : memref<10000x128xf32, #tpu.memory_space<hbm>> -> memref<10000x128xf32, #tpu.memory_space<hbm>>
    tpu.wait_indirect_dma semaphore(%arg14 : memref<!tpu.dma_semaphore, #tpu.memory_space<semaphore_mem>>) src(%dma_wait3A_60 : memref<10000x128xf32, #tpu.memory_space<hbm>>) dst(%arg10 : memref<80x128xf32, #tpu.memory_space<vmem>>)
    %run_scoped3A_61 = arith.constant 0 : i32
    "tpu.region"() ({
      %run_scoped3A_63 = tpu.sem_alloc : memref<!tpu.dma_semaphore, #tpu.memory_space<semaphore_mem>>
      %dma_start3A_64 = arith.constant 0 : i32
      %dma_start3A_65 = tpu.memref_slice %arg7[%run_scoped3A_61, %dma_start3A_64] : memref<2x80xi32, #tpu.memory_space<vmem>> -> memref<1x80xi32, #tpu.memory_space<vmem>>
      %dma_start3A_66 = tpu.memref_squeeze %dma_start3A_65 : memref<1x80xi32, #tpu.memory_space<vmem>> -> memref<80xi32, #tpu.memory_space<vmem>>
      %dma_start3A_67 = arith.constant 0 : i32
      %dma_start3A_68 = arith.constant 0 : i32
      %dma_start3A_69 = tpu.memref_slice %arg12[%dma_start3A_67, %dma_start3A_68] : memref<10240x128xf32, #tpu.memory_space<vmem_shared>> -> memref<10240x128xf32, #tpu.memory_space<vmem_shared>>
      tpu.enqueue_indirect_dma source(%arg10 : memref<80x128xf32, #tpu.memory_space<vmem>>) target(%dma_start3A_69 : memref<10240x128xf32, #tpu.memory_space<vmem_shared>>) offsets(%dma_start3A_66 : memref<80xi32, #tpu.memory_space<vmem>>) semaphore(%run_scoped3A_63 : memref<!tpu.dma_semaphore, #tpu.memory_space<semaphore_mem>>) {add = true}
      %dma_wait3A_70 = arith.constant 0 : i32
      %dma_wait3A_71 = tpu.memref_slice %arg7[%run_scoped3A_61, %dma_wait3A_70] : memref<2x80xi32, #tpu.memory_space<vmem>> -> memref<1x80xi32, #tpu.memory_space<vmem>>
      %dma_wait3A_72 = tpu.memref_squeeze %dma_wait3A_71 : memref<1x80xi32, #tpu.memory_space<vmem>> -> memref<80xi32, #tpu.memory_space<vmem>>
      %dma_wait3A_73 = arith.constant 0 : i32
      %dma_wait3A_74 = arith.constant 0 : i32
      %dma_wait3A_75 = tpu.memref_slice %arg12[%dma_wait3A_73, %dma_wait3A_74] : memref<10240x128xf32, #tpu.memory_space<vmem_shared>> -> memref<10240x128xf32, #tpu.memory_space<vmem_shared>>
      tpu.wait_indirect_dma semaphore(%run_scoped3A_63 : memref<!tpu.dma_semaphore, #tpu.memory_space<semaphore_mem>>) src(%arg10 : memref<80x128xf32, #tpu.memory_space<vmem>>) dst(%dma_wait3A_75 : memref<10240x128xf32, #tpu.memory_space<vmem_shared>>)
      tpu.yield
    }) : () -> ()
    %barrier3A_62 = arith.constant 0 : index
    tpu.barrier barrier_id(%barrier3A_62)
    "tpu.region"() ({
      %run_scoped3A_63 = tpu.sem_alloc : memref<!tpu.dma_semaphore, #tpu.memory_space<semaphore_mem>>
      %dma_start3A_64 = arith.constant 0 : i32
      %dma_start3A_65 = tpu.memref_slice %arg5[%arg0, %multiple_of3A, %dma_start3A_64] : memref<2x10240x128xf32, #tpu.memory_space<hbm>> -> memref<1x640x128xf32, #tpu.memory_space<hbm>>
      %dma_start3A_66 = tpu.memref_squeeze %dma_start3A_65 : memref<1x640x128xf32, #tpu.memory_space<hbm>> -> memref<640x128xf32, #tpu.memory_space<hbm>>
      %dma_start3A_67 = arith.constant 0 : i32
      %dma_start3A_68 = tpu.memref_slice %arg12[%multiple_of3A, %dma_start3A_67] : memref<10240x128xf32, #tpu.memory_space<vmem_shared>> -> memref<640x128xf32, #tpu.memory_space<vmem_shared>>
      tpu.enqueue_dma source(%dma_start3A_68 : memref<640x128xf32, #tpu.memory_space<vmem_shared>>) target(%dma_start3A_66 : memref<640x128xf32, #tpu.memory_space<hbm>>) target_semaphore(%run_scoped3A_63 : memref<!tpu.dma_semaphore, #tpu.memory_space<semaphore_mem>>)
      %dma_wait3A_69 = arith.constant 0 : i32
      %dma_wait3A_70 = tpu.memref_slice %arg5[%arg0, %multiple_of3A, %dma_wait3A_69] : memref<2x10240x128xf32, #tpu.memory_space<hbm>> -> memref<1x640x128xf32, #tpu.memory_space<hbm>>
      %dma_wait3A_71 = tpu.memref_squeeze %dma_wait3A_70 : memref<1x640x128xf32, #tpu.memory_space<hbm>> -> memref<640x128xf32, #tpu.memory_space<hbm>>
      %dma_wait3A_72 = arith.constant 0 : i32
      %dma_wait3A_73 = tpu.memref_slice %arg12[%multiple_of3A, %dma_wait3A_72] : memref<10240x128xf32, #tpu.memory_space<vmem_shared>> -> memref<640x128xf32, #tpu.memory_space<vmem_shared>>
      tpu.wait_dma2 semaphore(%run_scoped3A_63 : memref<!tpu.dma_semaphore, #tpu.memory_space<semaphore_mem>>) src(%dma_wait3A_73 : memref<640x128xf32, #tpu.memory_space<vmem_shared>>) dst(%dma_wait3A_71 : memref<640x128xf32, #tpu.memory_space<hbm>>)
      tpu.yield
    }) : () -> ()
    return
  }
}

#map = affine_map<(d0, d1) -> (0, 0, 0)>
#map1 = affine_map<(d0, d1) -> (0, 0, 0, 0)>
#map2 = affine_map<(d0, d1) -> (0, 0)>
module attributes {stable_mosaic.version = 14 : i64} {
  func.func @sc_a3cnt(%arg0: i32, %arg1: i32, %arg2: memref<32x125x80xi32, #tpu.memory_space<hbm>>, %arg3: memref<32x125x80x128xf32, #tpu.memory_space<hbm>>, %arg4: memref<640x128xf32, #tpu.memory_space<hbm>>, %arg5: memref<2x10240x128xf32, #tpu.memory_space<hbm>>, %arg6: memref<125x80xi32, #tpu.memory_space<vmem>>, %arg7: memref<80x128xf32, #tpu.memory_space<vmem>>, %arg8: memref<80x128xf32, #tpu.memory_space<vmem>>, %arg9: memref<10240x128xf32, #tpu.memory_space<vmem_shared>>, %arg10: memref<!tpu.dma_semaphore, #tpu.memory_space<semaphore_mem>>, %arg11: memref<!tpu.dma_semaphore, #tpu.memory_space<semaphore_mem>>) attributes {dimension_semantics = [#tpu.dimension_semantics<core_parallel>, #tpu.dimension_semantics<subcore_parallel>], iteration_bounds = array<i64: 2, 16>, scalar_prefetch = 0 : i64, scratch_operands = 6 : i64, tpu.core_type = #tpu.core_type<sc_vector_subcore>, window_params = [{transform_indices = #map}, {transform_indices = #map1}, {transform_indices = #map2}, {transform_indices = #map}]} {
    %mul3A = arith.constant 2 : i32
    %mul3A_0 = arith.muli %arg1, %mul3A : i32
    %add3A = arith.addi %mul3A_0, %arg0 : i32
    %mul3A_1 = arith.constant 640 : i32
    %mul3A_2 = arith.muli %arg1, %mul3A_1 : i32
    %multiple_of3A = tpu.assume_multiple %mul3A_2, 8 : i32
    "tpu.region"() ({
      %run_scoped3A_24 = tpu.sem_alloc : memref<!tpu.dma_semaphore, #tpu.memory_space<semaphore_mem>>
      %dma_start3A_25 = arith.constant 0 : i32
      %dma_start3A_26 = tpu.memref_slice %arg9[%multiple_of3A, %dma_start3A_25] : memref<10240x128xf32, #tpu.memory_space<vmem_shared>> -> memref<640x128xf32, #tpu.memory_space<vmem_shared>>
      tpu.enqueue_dma source(%arg4 : memref<640x128xf32, #tpu.memory_space<hbm>>) target(%dma_start3A_26 : memref<640x128xf32, #tpu.memory_space<vmem_shared>>) target_semaphore(%run_scoped3A_24 : memref<!tpu.dma_semaphore, #tpu.memory_space<semaphore_mem>>)
      %dma_wait3A_27 = arith.constant 0 : i32
      %dma_wait3A_28 = tpu.memref_slice %arg9[%multiple_of3A, %dma_wait3A_27] : memref<10240x128xf32, #tpu.memory_space<vmem_shared>> -> memref<640x128xf32, #tpu.memory_space<vmem_shared>>
      tpu.wait_dma2 semaphore(%run_scoped3A_24 : memref<!tpu.dma_semaphore, #tpu.memory_space<semaphore_mem>>) src(%arg4 : memref<640x128xf32, #tpu.memory_space<hbm>>) dst(%dma_wait3A_28 : memref<640x128xf32, #tpu.memory_space<vmem_shared>>)
      tpu.yield
    }) : () -> ()
    "tpu.region"() ({
      %run_scoped3A_24 = tpu.sem_alloc : memref<!tpu.dma_semaphore, #tpu.memory_space<semaphore_mem>>
      %dma_start3A_25 = arith.constant 0 : i32
      %dma_start3A_26 = arith.constant 0 : i32
      %dma_start3A_27 = tpu.memref_slice %arg2[%add3A, %dma_start3A_25, %dma_start3A_26] : memref<32x125x80xi32, #tpu.memory_space<hbm>> -> memref<1x125x80xi32, #tpu.memory_space<hbm>>
      %dma_start3A_28 = tpu.memref_squeeze %dma_start3A_27 : memref<1x125x80xi32, #tpu.memory_space<hbm>> -> memref<125x80xi32, #tpu.memory_space<hbm>>
      %dma_start3A_29 = arith.constant 0 : i32
      %dma_start3A_30 = arith.constant 0 : i32
      %dma_start3A_31 = tpu.memref_slice %arg2[%add3A, %dma_start3A_29, %dma_start3A_30] : memref<32x125x80xi32, #tpu.memory_space<hbm>> -> memref<1x125x80xi32, #tpu.memory_space<hbm>>
      %dma_start3A_32 = tpu.memref_squeeze %dma_start3A_31 : memref<1x125x80xi32, #tpu.memory_space<hbm>> -> memref<125x80xi32, #tpu.memory_space<hbm>>
      tpu.enqueue_dma source(%dma_start3A_32 : memref<125x80xi32, #tpu.memory_space<hbm>>) target(%arg6 : memref<125x80xi32, #tpu.memory_space<vmem>>) target_semaphore(%run_scoped3A_24 : memref<!tpu.dma_semaphore, #tpu.memory_space<semaphore_mem>>)
      %dma_wait3A_33 = arith.constant 0 : i32
      %dma_wait3A_34 = arith.constant 0 : i32
      %dma_wait3A_35 = tpu.memref_slice %arg2[%add3A, %dma_wait3A_33, %dma_wait3A_34] : memref<32x125x80xi32, #tpu.memory_space<hbm>> -> memref<1x125x80xi32, #tpu.memory_space<hbm>>
      %dma_wait3A_36 = tpu.memref_squeeze %dma_wait3A_35 : memref<1x125x80xi32, #tpu.memory_space<hbm>> -> memref<125x80xi32, #tpu.memory_space<hbm>>
      %dma_wait3A_37 = arith.constant 0 : i32
      %dma_wait3A_38 = arith.constant 0 : i32
      %dma_wait3A_39 = tpu.memref_slice %arg2[%add3A, %dma_wait3A_37, %dma_wait3A_38] : memref<32x125x80xi32, #tpu.memory_space<hbm>> -> memref<1x125x80xi32, #tpu.memory_space<hbm>>
      %dma_wait3A_40 = tpu.memref_squeeze %dma_wait3A_39 : memref<1x125x80xi32, #tpu.memory_space<hbm>> -> memref<125x80xi32, #tpu.memory_space<hbm>>
      tpu.wait_dma2 semaphore(%run_scoped3A_24 : memref<!tpu.dma_semaphore, #tpu.memory_space<semaphore_mem>>) src(%dma_wait3A_40 : memref<125x80xi32, #tpu.memory_space<hbm>>) dst(%arg6 : memref<125x80xi32, #tpu.memory_space<vmem>>)
      tpu.yield
    }) : () -> ()
    %dma_start3A = arith.constant 0 : i32
    %dma_start3A_3 = arith.constant 0 : i32
    %dma_start3A_4 = arith.constant 0 : i32
    %dma_start3A_5 = tpu.memref_slice %arg3[%add3A, %dma_start3A, %dma_start3A_3, %dma_start3A_4] : memref<32x125x80x128xf32, #tpu.memory_space<hbm>> -> memref<1x1x80x128xf32, #tpu.memory_space<hbm>>
    %dma_start3A_6 = tpu.memref_squeeze %dma_start3A_5 : memref<1x1x80x128xf32, #tpu.memory_space<hbm>> -> memref<80x128xf32, #tpu.memory_space<hbm>>
    %dma_start3A_7 = arith.constant 0 : i32
    %dma_start3A_8 = arith.constant 0 : i32
    %dma_start3A_9 = tpu.memref_slice %arg3[%add3A, %dma_start3A, %dma_start3A_7, %dma_start3A_8] : memref<32x125x80x128xf32, #tpu.memory_space<hbm>> -> memref<1x1x80x128xf32, #tpu.memory_space<hbm>>
    %dma_start3A_10 = tpu.memref_squeeze %dma_start3A_9 : memref<1x1x80x128xf32, #tpu.memory_space<hbm>> -> memref<80x128xf32, #tpu.memory_space<hbm>>
    tpu.enqueue_dma source(%dma_start3A_10 : memref<80x128xf32, #tpu.memory_space<hbm>>) target(%arg7 : memref<80x128xf32, #tpu.memory_space<vmem>>) target_semaphore(%arg10 : memref<!tpu.dma_semaphore, #tpu.memory_space<semaphore_mem>>)
    %barrier3A = arith.constant 0 : index
    tpu.barrier barrier_id(%barrier3A)
    %scan3A = arith.constant 0 : i32
    %scan3A_11 = arith.constant 62 : i32
    %scan3A_12 = arith.addi %scan3A, %scan3A_11 : i32
    %scan3A_13 = arith.constant 1 : i32
    scf.for %scan3A_24 = %scan3A to %scan3A_12 step %scan3A_13  : i32 {
      %mul3A_25 = arith.constant 1 : i32
      %mul3A_26 = arith.muli %scan3A_24, %mul3A_25 : i32
      %add3A_27 = arith.constant 0 : i32
      %add3A_28 = arith.addi %add3A_27, %mul3A_26 : i32
      %mul3A_29 = arith.constant 2 : i32
      %mul3A_30 = arith.muli %mul3A_29, %add3A_28 : i32
      %dma_wait3A_31 = arith.constant 0 : i32
      %dma_wait3A_32 = arith.constant 0 : i32
      %dma_wait3A_33 = tpu.memref_slice %arg3[%add3A, %mul3A_30, %dma_wait3A_31, %dma_wait3A_32] : memref<32x125x80x128xf32, #tpu.memory_space<hbm>> -> memref<1x1x80x128xf32, #tpu.memory_space<hbm>>
      %dma_wait3A_34 = tpu.memref_squeeze %dma_wait3A_33 : memref<1x1x80x128xf32, #tpu.memory_space<hbm>> -> memref<80x128xf32, #tpu.memory_space<hbm>>
      %dma_wait3A_35 = arith.constant 0 : i32
      %dma_wait3A_36 = arith.constant 0 : i32
      %dma_wait3A_37 = tpu.memref_slice %arg3[%add3A, %mul3A_30, %dma_wait3A_35, %dma_wait3A_36] : memref<32x125x80x128xf32, #tpu.memory_space<hbm>> -> memref<1x1x80x128xf32, #tpu.memory_space<hbm>>
      %dma_wait3A_38 = tpu.memref_squeeze %dma_wait3A_37 : memref<1x1x80x128xf32, #tpu.memory_space<hbm>> -> memref<80x128xf32, #tpu.memory_space<hbm>>
      tpu.wait_dma2 semaphore(%arg10 : memref<!tpu.dma_semaphore, #tpu.memory_space<semaphore_mem>>) src(%dma_wait3A_38 : memref<80x128xf32, #tpu.memory_space<hbm>>) dst(%arg7 : memref<80x128xf32, #tpu.memory_space<vmem>>)
      %add3A_39 = arith.constant 1 : i32
      %add3A_40 = arith.addi %mul3A_30, %add3A_39 : i32
      %dma_start3A_41 = arith.constant 0 : i32
      %dma_start3A_42 = arith.constant 0 : i32
      %dma_start3A_43 = tpu.memref_slice %arg3[%add3A, %add3A_40, %dma_start3A_41, %dma_start3A_42] : memref<32x125x80x128xf32, #tpu.memory_space<hbm>> -> memref<1x1x80x128xf32, #tpu.memory_space<hbm>>
      %dma_start3A_44 = tpu.memref_squeeze %dma_start3A_43 : memref<1x1x80x128xf32, #tpu.memory_space<hbm>> -> memref<80x128xf32, #tpu.memory_space<hbm>>
      %dma_start3A_45 = arith.constant 0 : i32
      %dma_start3A_46 = arith.constant 0 : i32
      %dma_start3A_47 = tpu.memref_slice %arg3[%add3A, %add3A_40, %dma_start3A_45, %dma_start3A_46] : memref<32x125x80x128xf32, #tpu.memory_space<hbm>> -> memref<1x1x80x128xf32, #tpu.memory_space<hbm>>
      %dma_start3A_48 = tpu.memref_squeeze %dma_start3A_47 : memref<1x1x80x128xf32, #tpu.memory_space<hbm>> -> memref<80x128xf32, #tpu.memory_space<hbm>>
      tpu.enqueue_dma source(%dma_start3A_48 : memref<80x128xf32, #tpu.memory_space<hbm>>) target(%arg8 : memref<80x128xf32, #tpu.memory_space<vmem>>) target_semaphore(%arg11 : memref<!tpu.dma_semaphore, #tpu.memory_space<semaphore_mem>>)
      "tpu.region"() ({
        %run_scoped3A_71 = tpu.sem_alloc : memref<!tpu.dma_semaphore, #tpu.memory_space<semaphore_mem>>
        %dma_start3A_72 = arith.constant 0 : i32
        %dma_start3A_73 = tpu.memref_slice %arg6[%mul3A_30, %dma_start3A_72] : memref<125x80xi32, #tpu.memory_space<vmem>> -> memref<1x80xi32, #tpu.memory_space<vmem>>
        %dma_start3A_74 = tpu.memref_squeeze %dma_start3A_73 : memref<1x80xi32, #tpu.memory_space<vmem>> -> memref<80xi32, #tpu.memory_space<vmem>>
        %dma_start3A_75 = arith.constant 0 : i32
        %dma_start3A_76 = arith.constant 0 : i32
        %dma_start3A_77 = tpu.memref_slice %arg9[%dma_start3A_75, %dma_start3A_76] : memref<10240x128xf32, #tpu.memory_space<vmem_shared>> -> memref<10240x128xf32, #tpu.memory_space<vmem_shared>>
        tpu.enqueue_indirect_dma source(%arg7 : memref<80x128xf32, #tpu.memory_space<vmem>>) target(%dma_start3A_77 : memref<10240x128xf32, #tpu.memory_space<vmem_shared>>) offsets(%dma_start3A_74 : memref<80xi32, #tpu.memory_space<vmem>>) semaphore(%run_scoped3A_71 : memref<!tpu.dma_semaphore, #tpu.memory_space<semaphore_mem>>) {add = true}
        %dma_wait3A_78 = arith.constant 0 : i32
        %dma_wait3A_79 = tpu.memref_slice %arg6[%mul3A_30, %dma_wait3A_78] : memref<125x80xi32, #tpu.memory_space<vmem>> -> memref<1x80xi32, #tpu.memory_space<vmem>>
        %dma_wait3A_80 = tpu.memref_squeeze %dma_wait3A_79 : memref<1x80xi32, #tpu.memory_space<vmem>> -> memref<80xi32, #tpu.memory_space<vmem>>
        %dma_wait3A_81 = arith.constant 0 : i32
        %dma_wait3A_82 = arith.constant 0 : i32
        %dma_wait3A_83 = tpu.memref_slice %arg9[%dma_wait3A_81, %dma_wait3A_82] : memref<10240x128xf32, #tpu.memory_space<vmem_shared>> -> memref<10240x128xf32, #tpu.memory_space<vmem_shared>>
        tpu.wait_indirect_dma semaphore(%run_scoped3A_71 : memref<!tpu.dma_semaphore, #tpu.memory_space<semaphore_mem>>) src(%arg7 : memref<80x128xf32, #tpu.memory_space<vmem>>) dst(%dma_wait3A_83 : memref<10240x128xf32, #tpu.memory_space<vmem_shared>>)
        tpu.yield
      }) : () -> ()
      %add3A_49 = arith.constant 1 : i32
      %add3A_50 = arith.addi %mul3A_30, %add3A_49 : i32
      %dma_wait3A_51 = arith.constant 0 : i32
      %dma_wait3A_52 = arith.constant 0 : i32
      %dma_wait3A_53 = tpu.memref_slice %arg3[%add3A, %add3A_50, %dma_wait3A_51, %dma_wait3A_52] : memref<32x125x80x128xf32, #tpu.memory_space<hbm>> -> memref<1x1x80x128xf32, #tpu.memory_space<hbm>>
      %dma_wait3A_54 = tpu.memref_squeeze %dma_wait3A_53 : memref<1x1x80x128xf32, #tpu.memory_space<hbm>> -> memref<80x128xf32, #tpu.memory_space<hbm>>
      %dma_wait3A_55 = arith.constant 0 : i32
      %dma_wait3A_56 = arith.constant 0 : i32
      %dma_wait3A_57 = tpu.memref_slice %arg3[%add3A, %add3A_50, %dma_wait3A_55, %dma_wait3A_56] : memref<32x125x80x128xf32, #tpu.memory_space<hbm>> -> memref<1x1x80x128xf32, #tpu.memory_space<hbm>>
      %dma_wait3A_58 = tpu.memref_squeeze %dma_wait3A_57 : memref<1x1x80x128xf32, #tpu.memory_space<hbm>> -> memref<80x128xf32, #tpu.memory_space<hbm>>
      tpu.wait_dma2 semaphore(%arg11 : memref<!tpu.dma_semaphore, #tpu.memory_space<semaphore_mem>>) src(%dma_wait3A_58 : memref<80x128xf32, #tpu.memory_space<hbm>>) dst(%arg8 : memref<80x128xf32, #tpu.memory_space<vmem>>)
      %add3A_59 = arith.constant 2 : i32
      %add3A_60 = arith.addi %mul3A_30, %add3A_59 : i32
      %dma_start3A_61 = arith.constant 0 : i32
      %dma_start3A_62 = arith.constant 0 : i32
      %dma_start3A_63 = tpu.memref_slice %arg3[%add3A, %add3A_60, %dma_start3A_61, %dma_start3A_62] : memref<32x125x80x128xf32, #tpu.memory_space<hbm>> -> memref<1x1x80x128xf32, #tpu.memory_space<hbm>>
      %dma_start3A_64 = tpu.memref_squeeze %dma_start3A_63 : memref<1x1x80x128xf32, #tpu.memory_space<hbm>> -> memref<80x128xf32, #tpu.memory_space<hbm>>
      %dma_start3A_65 = arith.constant 0 : i32
      %dma_start3A_66 = arith.constant 0 : i32
      %dma_start3A_67 = tpu.memref_slice %arg3[%add3A, %add3A_60, %dma_start3A_65, %dma_start3A_66] : memref<32x125x80x128xf32, #tpu.memory_space<hbm>> -> memref<1x1x80x128xf32, #tpu.memory_space<hbm>>
      %dma_start3A_68 = tpu.memref_squeeze %dma_start3A_67 : memref<1x1x80x128xf32, #tpu.memory_space<hbm>> -> memref<80x128xf32, #tpu.memory_space<hbm>>
      tpu.enqueue_dma source(%dma_start3A_68 : memref<80x128xf32, #tpu.memory_space<hbm>>) target(%arg7 : memref<80x128xf32, #tpu.memory_space<vmem>>) target_semaphore(%arg10 : memref<!tpu.dma_semaphore, #tpu.memory_space<semaphore_mem>>)
      %add3A_69 = arith.constant 1 : i32
      %add3A_70 = arith.addi %mul3A_30, %add3A_69 : i32
      "tpu.region"() ({
        %run_scoped3A_71 = tpu.sem_alloc : memref<!tpu.dma_semaphore, #tpu.memory_space<semaphore_mem>>
        %dma_start3A_72 = arith.constant 0 : i32
        %dma_start3A_73 = tpu.memref_slice %arg6[%add3A_70, %dma_start3A_72] : memref<125x80xi32, #tpu.memory_space<vmem>> -> memref<1x80xi32, #tpu.memory_space<vmem>>
        %dma_start3A_74 = tpu.memref_squeeze %dma_start3A_73 : memref<1x80xi32, #tpu.memory_space<vmem>> -> memref<80xi32, #tpu.memory_space<vmem>>
        %dma_start3A_75 = arith.constant 0 : i32
        %dma_start3A_76 = arith.constant 0 : i32
        %dma_start3A_77 = tpu.memref_slice %arg9[%dma_start3A_75, %dma_start3A_76] : memref<10240x128xf32, #tpu.memory_space<vmem_shared>> -> memref<10240x128xf32, #tpu.memory_space<vmem_shared>>
        tpu.enqueue_indirect_dma source(%arg8 : memref<80x128xf32, #tpu.memory_space<vmem>>) target(%dma_start3A_77 : memref<10240x128xf32, #tpu.memory_space<vmem_shared>>) offsets(%dma_start3A_74 : memref<80xi32, #tpu.memory_space<vmem>>) semaphore(%run_scoped3A_71 : memref<!tpu.dma_semaphore, #tpu.memory_space<semaphore_mem>>) {add = true}
        %dma_wait3A_78 = arith.constant 0 : i32
        %dma_wait3A_79 = tpu.memref_slice %arg6[%add3A_70, %dma_wait3A_78] : memref<125x80xi32, #tpu.memory_space<vmem>> -> memref<1x80xi32, #tpu.memory_space<vmem>>
        %dma_wait3A_80 = tpu.memref_squeeze %dma_wait3A_79 : memref<1x80xi32, #tpu.memory_space<vmem>> -> memref<80xi32, #tpu.memory_space<vmem>>
        %dma_wait3A_81 = arith.constant 0 : i32
        %dma_wait3A_82 = arith.constant 0 : i32
        %dma_wait3A_83 = tpu.memref_slice %arg9[%dma_wait3A_81, %dma_wait3A_82] : memref<10240x128xf32, #tpu.memory_space<vmem_shared>> -> memref<10240x128xf32, #tpu.memory_space<vmem_shared>>
        tpu.wait_indirect_dma semaphore(%run_scoped3A_71 : memref<!tpu.dma_semaphore, #tpu.memory_space<semaphore_mem>>) src(%arg8 : memref<80x128xf32, #tpu.memory_space<vmem>>) dst(%dma_wait3A_83 : memref<10240x128xf32, #tpu.memory_space<vmem_shared>>)
        tpu.yield
      }) : () -> ()
    }
    %scan3A_14 = arith.constant 62 : i32
    %dma_wait3A = arith.constant 124 : i32
    %dma_wait3A_15 = arith.constant 0 : i32
    %dma_wait3A_16 = arith.constant 0 : i32
    %dma_wait3A_17 = tpu.memref_slice %arg3[%add3A, %dma_wait3A, %dma_wait3A_15, %dma_wait3A_16] : memref<32x125x80x128xf32, #tpu.memory_space<hbm>> -> memref<1x1x80x128xf32, #tpu.memory_space<hbm>>
    %dma_wait3A_18 = tpu.memref_squeeze %dma_wait3A_17 : memref<1x1x80x128xf32, #tpu.memory_space<hbm>> -> memref<80x128xf32, #tpu.memory_space<hbm>>
    %dma_wait3A_19 = arith.constant 0 : i32
    %dma_wait3A_20 = arith.constant 0 : i32
    %dma_wait3A_21 = tpu.memref_slice %arg3[%add3A, %dma_wait3A, %dma_wait3A_19, %dma_wait3A_20] : memref<32x125x80x128xf32, #tpu.memory_space<hbm>> -> memref<1x1x80x128xf32, #tpu.memory_space<hbm>>
    %dma_wait3A_22 = tpu.memref_squeeze %dma_wait3A_21 : memref<1x1x80x128xf32, #tpu.memory_space<hbm>> -> memref<80x128xf32, #tpu.memory_space<hbm>>
    tpu.wait_dma2 semaphore(%arg10 : memref<!tpu.dma_semaphore, #tpu.memory_space<semaphore_mem>>) src(%dma_wait3A_22 : memref<80x128xf32, #tpu.memory_space<hbm>>) dst(%arg7 : memref<80x128xf32, #tpu.memory_space<vmem>>)
    %run_scoped3A = arith.constant 124 : i32
    "tpu.region"() ({
      %run_scoped3A_24 = tpu.sem_alloc : memref<!tpu.dma_semaphore, #tpu.memory_space<semaphore_mem>>
      %dma_start3A_25 = arith.constant 0 : i32
      %dma_start3A_26 = tpu.memref_slice %arg6[%run_scoped3A, %dma_start3A_25] : memref<125x80xi32, #tpu.memory_space<vmem>> -> memref<1x80xi32, #tpu.memory_space<vmem>>
      %dma_start3A_27 = tpu.memref_squeeze %dma_start3A_26 : memref<1x80xi32, #tpu.memory_space<vmem>> -> memref<80xi32, #tpu.memory_space<vmem>>
      %dma_start3A_28 = arith.constant 0 : i32
      %dma_start3A_29 = arith.constant 0 : i32
      %dma_start3A_30 = tpu.memref_slice %arg9[%dma_start3A_28, %dma_start3A_29] : memref<10240x128xf32, #tpu.memory_space<vmem_shared>> -> memref<10240x128xf32, #tpu.memory_space<vmem_shared>>
      tpu.enqueue_indirect_dma source(%arg7 : memref<80x128xf32, #tpu.memory_space<vmem>>) target(%dma_start3A_30 : memref<10240x128xf32, #tpu.memory_space<vmem_shared>>) offsets(%dma_start3A_27 : memref<80xi32, #tpu.memory_space<vmem>>) semaphore(%run_scoped3A_24 : memref<!tpu.dma_semaphore, #tpu.memory_space<semaphore_mem>>) {add = true}
      %dma_wait3A_31 = arith.constant 0 : i32
      %dma_wait3A_32 = tpu.memref_slice %arg6[%run_scoped3A, %dma_wait3A_31] : memref<125x80xi32, #tpu.memory_space<vmem>> -> memref<1x80xi32, #tpu.memory_space<vmem>>
      %dma_wait3A_33 = tpu.memref_squeeze %dma_wait3A_32 : memref<1x80xi32, #tpu.memory_space<vmem>> -> memref<80xi32, #tpu.memory_space<vmem>>
      %dma_wait3A_34 = arith.constant 0 : i32
      %dma_wait3A_35 = arith.constant 0 : i32
      %dma_wait3A_36 = tpu.memref_slice %arg9[%dma_wait3A_34, %dma_wait3A_35] : memref<10240x128xf32, #tpu.memory_space<vmem_shared>> -> memref<10240x128xf32, #tpu.memory_space<vmem_shared>>
      tpu.wait_indirect_dma semaphore(%run_scoped3A_24 : memref<!tpu.dma_semaphore, #tpu.memory_space<semaphore_mem>>) src(%arg7 : memref<80x128xf32, #tpu.memory_space<vmem>>) dst(%dma_wait3A_36 : memref<10240x128xf32, #tpu.memory_space<vmem_shared>>)
      tpu.yield
    }) : () -> ()
    %barrier3A_23 = arith.constant 0 : index
    tpu.barrier barrier_id(%barrier3A_23)
    "tpu.region"() ({
      %run_scoped3A_24 = tpu.sem_alloc : memref<!tpu.dma_semaphore, #tpu.memory_space<semaphore_mem>>
      %dma_start3A_25 = arith.constant 0 : i32
      %dma_start3A_26 = tpu.memref_slice %arg5[%arg0, %multiple_of3A, %dma_start3A_25] : memref<2x10240x128xf32, #tpu.memory_space<hbm>> -> memref<1x640x128xf32, #tpu.memory_space<hbm>>
      %dma_start3A_27 = tpu.memref_squeeze %dma_start3A_26 : memref<1x640x128xf32, #tpu.memory_space<hbm>> -> memref<640x128xf32, #tpu.memory_space<hbm>>
      %dma_start3A_28 = arith.constant 0 : i32
      %dma_start3A_29 = tpu.memref_slice %arg9[%multiple_of3A, %dma_start3A_28] : memref<10240x128xf32, #tpu.memory_space<vmem_shared>> -> memref<640x128xf32, #tpu.memory_space<vmem_shared>>
      tpu.enqueue_dma source(%dma_start3A_29 : memref<640x128xf32, #tpu.memory_space<vmem_shared>>) target(%dma_start3A_27 : memref<640x128xf32, #tpu.memory_space<hbm>>) target_semaphore(%run_scoped3A_24 : memref<!tpu.dma_semaphore, #tpu.memory_space<semaphore_mem>>)
      %dma_wait3A_30 = arith.constant 0 : i32
      %dma_wait3A_31 = tpu.memref_slice %arg5[%arg0, %multiple_of3A, %dma_wait3A_30] : memref<2x10240x128xf32, #tpu.memory_space<hbm>> -> memref<1x640x128xf32, #tpu.memory_space<hbm>>
      %dma_wait3A_32 = tpu.memref_squeeze %dma_wait3A_31 : memref<1x640x128xf32, #tpu.memory_space<hbm>> -> memref<640x128xf32, #tpu.memory_space<hbm>>
      %dma_wait3A_33 = arith.constant 0 : i32
      %dma_wait3A_34 = tpu.memref_slice %arg9[%multiple_of3A, %dma_wait3A_33] : memref<10240x128xf32, #tpu.memory_space<vmem_shared>> -> memref<640x128xf32, #tpu.memory_space<vmem_shared>>
      tpu.wait_dma2 semaphore(%run_scoped3A_24 : memref<!tpu.dma_semaphore, #tpu.memory_space<semaphore_mem>>) src(%dma_wait3A_34 : memref<640x128xf32, #tpu.memory_space<vmem_shared>>) dst(%dma_wait3A_32 : memref<640x128xf32, #tpu.memory_space<hbm>>)
      tpu.yield
    }) : () -> ()
    return
  }
}

module attributes {stable_mosaic.version = 14 : i64} {
  func.func @_combine_body(%arg0: i32, %arg1: memref<400x128xf32, #tpu.memory_space<vmem>>, %arg2: memref<2x400x128xf32, #tpu.memory_space<vmem>>, %arg3: memref<2x400x128xf32, #tpu.memory_space<vmem>>, %arg4: memref<272x128xf32, #tpu.memory_space<vmem>>, %arg5: memref<1x128xf32, #tpu.memory_space<vmem>>, %arg6: memref<256x128xf32, #tpu.memory_space<vmem>>, %arg7: memref<1x128xf32, #tpu.memory_space<vmem>>, %arg8: memref<400x128xf32, #tpu.memory_space<vmem>>) attributes {dimension_semantics = [#tpu.dimension_semantics<arbitrary>], iteration_bounds = array<i64: 25>, scalar_prefetch = 0 : i64, scratch_operands = 0 : i64, tpu.core_type = #tpu.core_type<tc>, window_params = [{transform_indices = @transform_0, window_bounds = array<i64: 400, 128>}, {transform_indices = @transform_1, window_bounds = array<i64: 2, 400, 128>}, {transform_indices = @transform_2, window_bounds = array<i64: 2, 400, 128>}, {pipeline_mode = #tpu.pipeline_mode<synchronous>, transform_indices = @transform_3, window_bounds = array<i64: 272, 128>}, {pipeline_mode = #tpu.pipeline_mode<synchronous>, transform_indices = @transform_4, window_bounds = array<i64: 1, 128>}, {pipeline_mode = #tpu.pipeline_mode<synchronous>, transform_indices = @transform_5, window_bounds = array<i64: 256, 128>}, {pipeline_mode = #tpu.pipeline_mode<synchronous>, transform_indices = @transform_6, window_bounds = array<i64: 1, 128>}, {transform_indices = @transform_7, window_bounds = array<i64: 400, 128>}]} {
    %get3A = arith.constant 0 : index
    %get3A_0 = arith.constant 0 : index
    %get3A_1 = vector.load %arg1[%get3A, %get3A_0] : memref<400x128xf32, #tpu.memory_space<vmem>>, vector<400x128xf32>
    %get3A_2 = arith.constant 0 : index
    %get3A_3 = arith.constant 0 : index
    %get3A_4 = arith.constant 0 : index
    %get3A_5 = vector.load %arg2[%get3A_2, %get3A_3, %get3A_4] : memref<2x400x128xf32, #tpu.memory_space<vmem>>, vector<1x400x128xf32>
    %get3A_6 = vector.shape_cast %get3A_5 : vector<1x400x128xf32> to vector<400x128xf32>
    %get3A_7 = arith.constant 1 : index
    %get3A_8 = arith.constant 0 : index
    %get3A_9 = arith.constant 0 : index
    %get3A_10 = vector.load %arg2[%get3A_7, %get3A_8, %get3A_9] : memref<2x400x128xf32, #tpu.memory_space<vmem>>, vector<1x400x128xf32>
    %get3A_11 = vector.shape_cast %get3A_10 : vector<1x400x128xf32> to vector<400x128xf32>
    %add3A = arith.addf %get3A_6, %get3A_11 : vector<400x128xf32>
    %get3A_12 = arith.constant 0 : index
    %get3A_13 = arith.constant 0 : index
    %get3A_14 = arith.constant 0 : index
    %get3A_15 = vector.load %arg3[%get3A_12, %get3A_13, %get3A_14] : memref<2x400x128xf32, #tpu.memory_space<vmem>>, vector<1x400x128xf32>
    %get3A_16 = vector.shape_cast %get3A_15 : vector<1x400x128xf32> to vector<400x128xf32>
    %get3A_17 = arith.constant 1 : index
    %get3A_18 = arith.constant 0 : index
    %get3A_19 = arith.constant 0 : index
    %get3A_20 = vector.load %arg3[%get3A_17, %get3A_18, %get3A_19] : memref<2x400x128xf32, #tpu.memory_space<vmem>>, vector<1x400x128xf32>
    %get3A_21 = vector.shape_cast %get3A_20 : vector<1x400x128xf32> to vector<400x128xf32>
    %add3A_22 = arith.addf %get3A_16, %get3A_21 : vector<400x128xf32>
    %slice3A = vector.extract_strided_slice %add3A_22 {offsets = [0, 0], sizes = [400, 16], strides = [1, 1]} : vector<400x128xf32> to vector<400x16xf32>
    %slice3A_23 = vector.extract_strided_slice %add3A_22 {offsets = [0, 16], sizes = [400, 1], strides = [1, 1]} : vector<400x128xf32> to vector<400x1xf32>
    %get3A_24 = arith.constant 0 : index
    %get3A_25 = arith.constant 0 : index
    %get3A_26 = vector.load %arg4[%get3A_24, %get3A_25] : memref<272x128xf32, #tpu.memory_space<vmem>>, vector<128x128xf32>
    %dot_general3A = arith.constant dense<0.000000e+00> : vector<400x128xf32>
    %dot_general3A_27 = tpu.matmul %get3A_1, %get3A_26, %dot_general3A {dimension_numbers = #tpu.dot_dimension_numbers<[1], [0], [0], [1], [0, 0, 1, 1], [], []>, transpose_lhs_hint = false} : vector<400x128xf32>, vector<128x128xf32>, vector<400x128xf32> -> vector<400x128xf32>
    %mul3A = vector.broadcast %slice3A_23 : vector<400x1xf32> to vector<400x128xf32>
    %mul3A_28 = arith.mulf %mul3A, %dot_general3A_27 : vector<400x128xf32>
    %get3A_29 = arith.constant 128 : index
    %get3A_30 = arith.constant 0 : index
    %get3A_31 = vector.load %arg4[%get3A_29, %get3A_30] : memref<272x128xf32, #tpu.memory_space<vmem>>, vector<128x128xf32>
    %dot_general3A_32 = arith.constant dense<0.000000e+00> : vector<400x128xf32>
    %dot_general3A_33 = tpu.matmul %add3A, %get3A_31, %dot_general3A_32 {dimension_numbers = #tpu.dot_dimension_numbers<[1], [0], [0], [1], [0, 0, 1, 1], [], []>, transpose_lhs_hint = false} : vector<400x128xf32>, vector<128x128xf32>, vector<400x128xf32> -> vector<400x128xf32>
    %add3A_34 = arith.addf %mul3A_28, %dot_general3A_33 : vector<400x128xf32>
    %get3A_35 = arith.constant 256 : index
    %get3A_36 = arith.constant 0 : index
    %get3A_37 = vector.load %arg4[%get3A_35, %get3A_36] : memref<272x128xf32, #tpu.memory_space<vmem>>, vector<16x128xf32>
    %dot_general3A_38 = arith.constant dense<0.000000e+00> : vector<400x128xf32>
    %dot_general3A_39 = tpu.matmul %slice3A, %get3A_37, %dot_general3A_38 {dimension_numbers = #tpu.dot_dimension_numbers<[1], [0], [0], [1], [0, 0, 1, 1], [], []>, transpose_lhs_hint = false} : vector<400x16xf32>, vector<16x128xf32>, vector<400x128xf32> -> vector<400x128xf32>
    %add3A_40 = arith.addf %add3A_34, %dot_general3A_39 : vector<400x128xf32>
    %get3A_41 = arith.constant 0 : index
    %get3A_42 = arith.constant 0 : index
    %get3A_43 = vector.load %arg5[%get3A_41, %get3A_42] : memref<1x128xf32, #tpu.memory_space<vmem>>, vector<1x128xf32>
    %mul3A_44 = vector.broadcast %slice3A_23 : vector<400x1xf32> to vector<400x128xf32>
    %mul3A_45 = vector.broadcast %get3A_43 : vector<1x128xf32> to vector<400x128xf32>
    %mul3A_46 = arith.mulf %mul3A_44, %mul3A_45 : vector<400x128xf32>
    %add3A_47 = arith.addf %add3A_40, %mul3A_46 : vector<400x128xf32>
    %get3A_48 = arith.constant 0 : index
    %get3A_49 = arith.constant 0 : index
    %get3A_50 = vector.load %arg6[%get3A_48, %get3A_49] : memref<256x128xf32, #tpu.memory_space<vmem>>, vector<128x128xf32>
    %dot_general3A_51 = arith.constant dense<0.000000e+00> : vector<400x128xf32>
    %dot_general3A_52 = tpu.matmul %get3A_1, %get3A_50, %dot_general3A_51 {dimension_numbers = #tpu.dot_dimension_numbers<[1], [0], [0], [1], [0, 0, 1, 1], [], []>, transpose_lhs_hint = false} : vector<400x128xf32>, vector<128x128xf32>, vector<400x128xf32> -> vector<400x128xf32>
    %get3A_53 = arith.constant 128 : index
    %get3A_54 = arith.constant 0 : index
    %get3A_55 = vector.load %arg6[%get3A_53, %get3A_54] : memref<256x128xf32, #tpu.memory_space<vmem>>, vector<128x128xf32>
    %dot_general3A_56 = arith.constant dense<0.000000e+00> : vector<400x128xf32>
    %dot_general3A_57 = tpu.matmul %add3A_47, %get3A_55, %dot_general3A_56 {dimension_numbers = #tpu.dot_dimension_numbers<[1], [0], [0], [1], [0, 0, 1, 1], [], []>, transpose_lhs_hint = false} : vector<400x128xf32>, vector<128x128xf32>, vector<400x128xf32> -> vector<400x128xf32>
    %add3A_58 = arith.addf %dot_general3A_52, %dot_general3A_57 : vector<400x128xf32>
    %get3A_59 = arith.constant 0 : index
    %get3A_60 = arith.constant 0 : index
    %get3A_61 = vector.load %arg7[%get3A_59, %get3A_60] : memref<1x128xf32, #tpu.memory_space<vmem>>, vector<1x128xf32>
    %add3A_62 = vector.broadcast %get3A_61 : vector<1x128xf32> to vector<400x128xf32>
    %add3A_63 = arith.addf %add3A_58, %add3A_62 : vector<400x128xf32>
    %swap3A = arith.constant 0 : index
    %swap3A_64 = arith.constant 0 : index
    %swap3A_65 = vector.load %arg8[%swap3A, %swap3A_64] : memref<400x128xf32, #tpu.memory_space<vmem>>, vector<400x128xf32>
    tpu.vector_store %arg8[%swap3A, %swap3A_64], %add3A_63 {strides = array<i32>} : memref<400x128xf32, #tpu.memory_space<vmem>>, vector<400x128xf32>,
    return
  }
  func.func @transform_0(%arg0: i32) -> (i32, i32) {
    %c0_i32 = arith.constant 0 : i32
    %c0_i32_0 = arith.constant 0 : i32
    return %arg0, %c0_i32 : i32, i32
  }
  func.func @transform_1(%arg0: i32) -> (i32, i32, i32) {
    %c0_i32 = arith.constant 0 : i32
    %c0_i32_0 = arith.constant 0 : i32
    %c0_i32_1 = arith.constant 0 : i32
    return %c0_i32, %arg0, %c0_i32_0 : i32, i32, i32
  }
  func.func @transform_2(%arg0: i32) -> (i32, i32, i32) {
    %c0_i32 = arith.constant 0 : i32
    %c0_i32_0 = arith.constant 0 : i32
    %c0_i32_1 = arith.constant 0 : i32
    return %c0_i32, %arg0, %c0_i32_0 : i32, i32, i32
  }
  func.func @transform_3(%arg0: i32) -> (i32, i32) {
    %c0_i32 = arith.constant 0 : i32
    %c0_i32_0 = arith.constant 0 : i32
    %c0_i32_1 = arith.constant 0 : i32
    return %c0_i32, %c0_i32_0 : i32, i32
  }
  func.func @transform_4(%arg0: i32) -> (i32, i32) {
    %c0_i32 = arith.constant 0 : i32
    %c0_i32_0 = arith.constant 0 : i32
    %c0_i32_1 = arith.constant 0 : i32
    return %c0_i32, %c0_i32_0 : i32, i32
  }
  func.func @transform_5(%arg0: i32) -> (i32, i32) {
    %c0_i32 = arith.constant 0 : i32
    %c0_i32_0 = arith.constant 0 : i32
    %c0_i32_1 = arith.constant 0 : i32
    return %c0_i32, %c0_i32_0 : i32, i32
  }
  func.func @transform_6(%arg0: i32) -> (i32, i32) {
    %c0_i32 = arith.constant 0 : i32
    %c0_i32_0 = arith.constant 0 : i32
    %c0_i32_1 = arith.constant 0 : i32
    return %c0_i32, %c0_i32_0 : i32, i32
  }
  func.func @transform_7(%arg0: i32) -> (i32, i32) {
    %c0_i32 = arith.constant 0 : i32
    %c0_i32_0 = arith.constant 0 : i32
    return %arg0, %c0_i32 : i32, i32
  }
}

</mosaic_0001>

<sc_bundles>
// kernel: kernel.5.cloned.1.call-start
scs
__scs_entry_jumppad:
0x0: {  	(pc) =	sbr.rel $0x88, $3  }
0x1: {  	(tag) =	ssettag $0x0;
	lr =	simm.s32 $0x1  }
0x2: {  	[smem:$0x3F9A] =	sst lr;
	_ =	strace $0xD0000000  }
0x3: {  	_ = 	snop  }
0x4: {  	_ = 	snop  }
0x5: {  	_ = 	snop  }
0x6: {  	_ = 	snop  }
0x7: {  	_ = 	snop  }
__scs_overlays_trampoline_lowered:
0x8: {  	[smem:$0x3FA9] =	sst s0  }
0x9: {  	[smem:$0x3FAA] =	sst s1  }
0xa: {  	[smem:$0x3FAB] =	sst s2  }
0xb: {  	[smem:$0x3FAC] =	sst s3  }
0xc: {  	[smem:$0x3FAD] =	sst s4  }
0xd: {  	[smem:$0x3FAE] =	sst s5  }
0xe: {  	[smem:$0x3FAF] =	sst s6  }
0xf: {  	[smem:$0x3FB0] =	sst s7  }
0x10: {  	[smem:$0x3FB1] =	sst s8  }
0x11: {  	[smem:$0x3FB2] =	sst s9;
	s0 =	simm.s32 @!p0 $0x0  }
0x12: {  	s1 =	sld [smem:$0x3F98];
	s0 =	simm.s32 @p0 $0x1  }
0x13: {  	[smem:$0x3FB3] =	sst s0;
	s0 =	simm.s32 @!p1 $0x0  }
0x14: {  	s2 =	sld [smem:$0x3F97];
	s0 =	simm.s32 @p1 $0x1  }
0x15: {  	[smem:$0x3FB4] =	sst s0;
	s0 =	simm.s32 @!p2 $0x0  }
0x16: {  	s3 =	sld [smem:$0x3FDB];
	s0 =	simm.s32 @p2 $0x1  }
0x17: {  	s4 =	simm.s32 $0x1BF5;
	[smem:$0x3FB6] =	sst s0  }
0x18: {  	s0 =	sld [smem:$0x3F99];
	_ =	swait.ge [sflag:s4], $0x0  }
0x19: {  	s7 =	sld [smem:$0x3F9A]  }
0x1a: {  	s8 =	sadd.s32 $0xFFFFE003, lr  }
0x1b: {  	s9 =	sadd.s32 $0xFFFFFEF7, lr;
	s5 =	simm.s32 $0xFFFFFFFF;
	p2 =	slt.u32 s8, $0xFFFFF086  }
0x1c: {  	p1 =	slt.u32 s9, $0xF7A;
	s5 =	simm.s32 @!p2 $0x0  }
0x1d: {  	s5 =	simm.s32 @p1 $0x1;
	p0 =	seq.s32 s7, s2  }
0x1e: {  	s7 =	smul.u32 @!p0 $0xF7A, s2;
	p2 =	seq.s32 @!p0 s5, $0x0  }
0x1f: {  	s9 =	smul.u32 $0xF7A, s1;
	s8 =	simm.s32 @!p0 $0x1BF5;
	p2 =	por !p2, p0  }
0x20: {  	[sflag:s8] =	ssyncset.s32 @!p0 $0xFFFFF086;
	s6 =	sadd.s32 @!p0 s3, s7;
	s7 =	simm.s32 @!p0 $0x108  }
0x21: {  	s3 =	sadd.s32 s3, s9;
	s6 =	sadd.s32 @!p0 $0x88, s6;
	s7 =	simm.s32 @p2 $0x1082  }
0x22: {  	[simem:s7], [sflag:s8] =	dma.local @!p0 [hbm:s6], $0xF7A  }
0x23: {  	s9 =	sor.u32 $0xD0000000, s2;
	s6 =	simm.s32 $0x108;
	_ =	swait.ge @!p0 [sflag:s8], $0x0  }
0x24: {  	s3 =	sadd.s32 $0x88, s3;
	s6 =	simm.s32 @!p1 $0x1082;
	[sflag:s4] =	ssyncset.s32 $0xFFFFF086  }
0x25: {  	[simem:s6], [sflag:s4] =	dma.local [hbm:s3], $0xF7A  }
0x26: {  	[smem:$0x3F9A] =	sst s1;
	(tag) =	ssettag s2;
	_ =	strace s9  }
0x27: {  	s1 =	sld [smem:$0x3FAA]  }
0x28: {  	s2 =	sld [smem:$0x3FAB]  }
0x29: {  	s4 =	sld [smem:$0x3FAD]  }
0x2a: {  	p0 =	seq.s32 s5, $0x0;
	s5 =	sld [smem:$0x3FAE]  }
0x2b: {  	s6 =	sld [smem:$0x3FAF]  }
0x2c: {  	s7 =	sld [smem:$0x3FB0]  }
0x2d: {  	s3 =	simm.s32 $0x108;
	s8 =	sld [smem:$0x3FB1]  }
0x2e: {  	s3 =	simm.s32 @!p0 $0x1082;
	s9 =	sld [smem:$0x3FB2]  }
0x2f: {  	lr =	sadd.s32 s0, s3;
	s0 =	sld [smem:$0x3FA9]  }
0x30: {  	s3 =	sld [smem:$0x3FAC]  }
0x31: {  	[smem:$0x3FB5] =	sst s10  }
0x32: {  	s10 =	sld [smem:$0x3FB3];
	_ =	sdelay $0x3  }
0x33: {  	p0 =	seq.s32 s10, $0x1;
	s10 =	sld [smem:$0x3FB5];
	_ =	sdelay $0x3  }
0x34: {  	[smem:$0x3FB5] =	sst s10  }
0x35: {  	s10 =	sld [smem:$0x3FB4];
	_ =	sdelay $0x3  }
0x36: {  	p1 =	seq.s32 s10, $0x1;
	s10 =	sld [smem:$0x3FB5];
	_ =	sdelay $0x3  }
0x37: {  	[smem:$0x3FB5] =	sst s10  }
0x38: {  	s10 =	sld [smem:$0x3FB6]  }
0x39: {  	_ = 	snop;
	(pc) =	sbr.ind lr, $3  }
0x3a: {  	_ = 	snop  }
0x3b: {  	_ = 	snop  }
0x3c: {  	p2 =	seq.s32 s10, $0x1;
	s10 =	sld [smem:$0x3FB5]  }
0x3d: {  	_ =	shalt  }
0x3e: {  	_ =	shalt  }
0x3f: {  	_ =	shalt  }
0x40: {  	_ =	shalt  }
0x41: {  	_ =	shalt  }
0x42: {  	_ =	shalt  }
0x43: {  	_ =	shalt  }
0x44: {  	_ =	shalt  }
0x45: {  	_ =	shalt  }
0x46: {  	_ =	shalt  }
0x47: {  	_ =	shalt  }
0x48: {  	_ =	shalt  }
0x49: {  	_ =	shalt  }
0x4a: {  	_ =	shalt  }
0x4b: {  	_ =	shalt  }
0x4c: {  	_ =	shalt  }
0x4d: {  	_ =	shalt  }
0x4e: {  	_ =	shalt  }
0x4f: {  	_ =	shalt  }
0x50: {  	_ =	shalt  }
0x51: {  	_ =	shalt  }
0x52: {  	_ =	shalt  }
0x53: {  	_ =	shalt  }
0x54: {  	_ =	shalt  }
0x55: {  	_ =	shalt  }
0x56: {  	_ =	shalt  }
0x57: {  	_ =	shalt  }
0x58: {  	_ =	shalt  }
0x59: {  	_ =	shalt  }
0x5a: {  	_ =	shalt  }
0x5b: {  	_ =	shalt  }
0x5c: {  	_ =	shalt  }
0x5d: {  	_ =	shalt  }
0x5e: {  	_ =	shalt  }
0x5f: {  	_ =	shalt  }
0x60: {  	_ =	shalt  }
0x61: {  	_ =	shalt  }
0x62: {  	_ =	shalt  }
0x63: {  	_ =	shalt  }
0x64: {  	_ =	shalt  }
0x65: {  	_ =	shalt  }
0x66: {  	_ =	shalt  }
0x67: {  	_ =	shalt  }
0x68: {  	_ =	shalt  }
0x69: {  	_ =	shalt  }
0x6a: {  	_ =	shalt  }
0x6b: {  	_ =	shalt  }
0x6c: {  	_ =	shalt  }
0x6d: {  	_ =	shalt  }
0x6e: {  	_ =	shalt  }
0x6f: {  	_ =	shalt  }
0x70: {  	_ =	shalt  }
0x71: {  	_ =	shalt  }
0x72: {  	_ =	shalt  }
0x73: {  	_ =	shalt  }
0x74: {  	_ =	shalt  }
0x75: {  	_ =	shalt  }
0x76: {  	_ =	shalt  }
0x77: {  	_ =	shalt  }
0x78: {  	_ =	shalt  }
0x79: {  	_ =	shalt  }
0x7a: {  	_ =	shalt  }
0x7b: {  	_ =	shalt  }
0x7c: {  	_ =	shalt  }
0x7d: {  	_ =	shalt  }
0x7e: {  	_ =	shalt  }
0x7f: {  	_ =	shalt  }
0x80: {  	_ =	shalt  }
0x81: {  	_ =	shalt  }
0x82: {  	_ =	shalt  }
0x83: {  	_ =	shalt  }
0x84: {  	_ =	shalt  }
0x85: {  	_ =	shalt  }
0x86: {  	_ =	shalt  }
0x87: {  	_ =	shalt  }
.Lfunc_end0:
.L_simem_size_0:
called_computation_lowered:
.L_overlay_start_0:
0x88: {  	s2 =	sld [smem:$0x3FD9]  }
0x89: {  	s3 =	sld [smem:$0x3FFE];
	_ =	sdelay $0x1  }
0x8a: {  	s1 =	srdreg.scid  }
0x8b: {  	s0 =	sand.u32 $0x1, s1  }
0x8c: {  	s15 =	sshll.u32 s0, $0xA;
	s2 =	sadd.s32 s3, s2  }
0x8d: {  	s2 =	sadd.s32 s2, s15  }
0x8e: {  	[smem:$0x3FC1] =	sst s2  }
0x8f: {  	_ = 	snop  }
0x90: {  	s2 =	sld [smem:$0x3FD0];
	_ =	sdelay $0x2  }
0x91: {  	s4 =	simm.s32 $0xB;
	s5 =	simm.s32 $0x10;
	s16 =	sld [smem:$0x3FC9]  }
0x92: {  	[smem:s5], [sflag:s4] =	dma.local [hbm:s2], $0x1  }
0x93: {  	_ =	swait.eq [sflag:s4], $0x1  }
0x94: {  	[sflag:s4] =	ssyncset.done $0x0  }
0x95: {  	s17 =	sld [smem:$0x10];
	[sflag:s4] =	ssyncadd.s32 $0xFFFFFFFF  }
0x96: {  	s18 =	sld [smem:$0x12];
	(tm) =	ssettm $0x1  }
0x97: {  	s19 =	sld [smem:$0x3FFB];
	_ =	sdelay $0x3  }
0x98: {  	_ =	strace s19  }
0x99: {  	s2 =	sld [smem:$0x3FFC];
	_ =	sdelay $0x3  }
0x9a: {  	_ =	strace s2  }
0x9b: {  	s2 =	sld [smem:$0x3FFD];
	_ =	sdelay $0x3  }
0x9c: {  	_ =	strace s2  }
0x9d: {  	_ =	strace $0x8FFFFFFF  }
0x9e: {  	s20 =	sld [smem:$0x3FDB];
	_ =	sdelay $0x1  }
0x9f: {  	s6 =	simm.s32 $_scs_section_size  }
0xa0: {  	s7 =	simm.s32 $_size__tile_overlayer_lowered;
	s8 =	simm.s32 $_tile_overlayer_lowered  }
0xa1: {  	s9 =	simm.s32 $0x1BFF;
	s21 =	sshll.u32 s8, $0x1;
	s6 =	sadd.s32 s6, s20  }
0xa2: {  	s22 =	simm.s32 $0x0;
	s7 =	sshll.u32 s7, $0x1;
	s8 =	sadd.s32 s21, s6  }
0xa3: {  	[timem:s22], [sflag:s9] =	dma.local [hbm:s8], s7  }
0xa4: {  	_ =	swait.ge [sflag:s9], s7  }
0xa5: {  	s7 =	ssub.s32 $0x0, s7;
	[sflag:s9] =	ssyncset.done $0x0  }
0xa6: {  	[sflag:s9] =	ssyncadd.s32 s7;
	_ =	sdelay $0x1  }
0xa7: {  	s23 =	simm.s32 $0x1B8B  }
0xa8: {  	_ =	swait.ge [sflag:s23], $0x1  }
0xa9: {  	[sflag:s23] =	ssyncset.done $0x0  }
0xaa: {  	[sflag:s23] =	ssyncadd.s32 $0xFFFFFFFF  }
0xab: {  	s7 =	sld [smem:$0x0]  }
0xac: {  	s8 =	sand.u32 $0xFFFFFFFE, s1  }
0xad: {  	p0 =	sne.s32 s1, s8  }
0xae: {  	s8 =	sshll.u32 @p0 s8, $0xE  }
0xaf: {  	s8 =	sadd.s32 @p0 $0x11B8D, s8;
	s9 =	sshll.u32 @p0 s7, $0x11  }
0xb0: {  	s8 =	sor.u32 @p0 s9, s8  }
0xb1: {  	[sflag:s8] =	ssyncadd.remote.s32 @p0 $0x1;
	_ =	sdelay $0x1  }
0xb2: {  	s8 =	simm.s32 @p0 $0x1B8D  }
0xb3: {  	_ =	swait.eq @p0 [sflag:s8], $0x1  }
0xb4: {  	[sflag:s8] =	ssyncadd.s32 @p0 $0xFFFFFFFF  }
0xb5: {  	s9 =	sshll.u32 @!p0 s1, $0xE  }
0xb6: {  	s9 =	sor.u32 @!p0 $0x4000, s9;
	s8 =	simm.s32 @!p0 $0x1B8D  }
0xb7: {  	s7 =	sshll.u32 @!p0 s7, $0x11;
	s9 =	sadd.s32 @!p0 $0x11B8D, s9;
	_ =	swait.eq @!p0 [sflag:s8], $0x1  }
0xb8: {  	s7 =	sor.u32 @!p0 s7, s9;
	[sflag:s8] =	ssyncadd.s32 @!p0 $0xFFFFFFFF  }
0xb9: {  	s25 =	simm.s32 $0x1B8E;
	s24 =	sld [smem:$0x3FFE];
	[sflag:s7] =	ssyncadd.remote.s32 @!p0 $0x1  }
0xba: {  	s26 =	simm.s32 $execute0_lowered;
	[smem:$0x3FD2] =	sst s25  }
0xbb: {  	s8 =	sshll.u32 s26, $0x1;
	_ =	strace $0x80000049;
	[dreg:$0x1] =	wrdreg $0xFFFFFFFF  }
0xbc: {  	s28 =	simm.s32 $_size_execute0_lowered;
	s6 =	sadd.s32 s6, s8;
	[dreg:$0x0] =	wrdreg $0x0  }
0xbd: {  	s8 =	sshll.u32 s28, $0x1;
	[dreg:$0x2] =	wrdreg s6  }
0xbe: {  	[dreg:$0x3] =	wrdreg s8  }
0xbf: {  	[dreg:$0x4] =	wrdreg $0xC0  }
0xc0: {  	_ =	task [dreg:s22], $0x5FFFF  }
0xc1: {  	[dreg:$0x1] =	wrdreg $0xFFFFFFFF  }
0xc2: {  	[dreg:$0x0] =	wrdreg $0x60  }
0xc3: {  	[dreg:$0x2] =	wrdreg s16  }
0xc4: {  	[dreg:$0x3] =	wrdreg s17  }
0xc5: {  	[dreg:$0x4] =	wrdreg s24  }
0xc6: {  	[dreg:$0x5] =	wrdreg s18  }
0xc7: {  	[dreg:$0x6] =	wrdreg $0x7B000  }
0xc8: {  	[dreg:$0x7] =	wrdreg $0x9  }
0xc9: {  	_ =	task.clear_ibuf [dreg:s22], $0x8FFFF;
	_ =	strace $0x90000049  }
0xca: {  	s29 =	simm.s32 $0x9;
	_ =	strace $0x8000004B  }
0xcb: {  	_ =	swait.ge [sflag:s29], $0x1  }
0xcc: {  	[sflag:s29] =	ssyncadd.s32 $0xFFFFFFFF  }
0xcd: {  	_ =	strace $0x9000004B  }
0xce: {  	_ =	sfence  }
0xcf: {  	s30 =	sld [smem:$0x0];
	_ =	sdelay $0x2  }
0xd0: {  	s31 =	sshll.u32 s1, $0xD;
	s1 =	sshrl.u32 s1, $0x2  }
0xd1: {  	s4 =	sand.u32 $0x4000, s31;
	s1 =	sadd.s32 s1, s30  }
0xd2: {  	s0 =	sor.u32 s4, s0;
	s1 =	sshll.u32 s1, $0x11  }
0xd3: {  	s0 =	sor.u32 s1, s0  }
0xd4: {  	s0 =	sadd.s32 $0x8F2B, s0  }
0xd5: {  	[sflag:s0] =	ssyncadd.remote.s32 $0x1  }
0xd6: {  	_ =	sfence.sel $0xFFFF  }
0xd7: {  	[dreg:$0x0] =	wrdreg $0xFFFFFFFF;
	(pc) =	sbr.abs _section_cstart, $3  }
0xd8: {  	[dreg:$0x1] =	wrdreg $0xFFFFFFFF  }
0xd9: {  	_ =	task.clear_ibuf [dreg:s22], $0x2FFFF;
	_ =	strace $0x9FFFFFFF  }
0xda: {  	(tm) =	ssettm $0x7FFFFFFF  }
0xdb: {  	_ =	shalt  }
tec
execute0_lowered:
.L_overlay_start_1:
0x0: {  	(tag) =	ssettag $0x1  }
0x1: {  	s1 =	rddreg [dreg:$0x0]  }
0x2: {  	s2 =	rddreg [dreg:$0x1]  }
0x3: {  	s0 =	rddreg [dreg:$0x2]  }
0x4: {  	s4 =	rddreg [dreg:$0x3]  }
0x5: {  	s3 =	rddreg [dreg:$0x4];
	s5 =	simm.s32 $0x0;
	s6 =	srdreg.scid  }
0x6: {  	s13 =	stileid.u32;
	s28 =	simm.s32 $0x2B00;
	s29 =	simm.s32 $0x1  }
0x7: {  	s30 =	simm.s32 $0x6;
	s31 =	simm.s32 $0x280;
	s9 =	smul.u32 $0x50000, s13  }
0x8: {  	[smem:$0x7FF] =	sst s5;
	s6 =	sand.u32 $0x1, s6;
	s12 =	smul.u32 $0x14000, s13  }
0x9: {  	s7 =	sshll.u32 s13, $0x1;
	s0 =	sadd.s32 $0x1A00, s0;
	s20 =	smul.u32 $0xFA00, s13  }
0xa: {  	s18 =	sshll.u32 s13, $0x6;
	_ =	strace $0x8000004A;
	s17 =	smul.u32 $0x140000, s6  }
0xb: {  	s8 =	ssub.s32 $0x2, s6;
	s7 =	sor.u32 s6, s7;
	s6 =	smul.u32 $0x7D00, s6  }
0xc: {  	[dreg:$0x6] =	wrdreg s0;
	s15 =	sshrl.u32 s8, $0x1;
	s10 =	smul.u32 $0x7D00, s7  }
0xd: {  	s16 =	sshrl.u32 s9, $0x2;
	s7 =	sor.u32 $0x1C07, s18;
	s0 =	ssub.s32 s8, s15  }
0xe: {  	s11 =	sadd.s32 s16, s3;
	s9 =	sadd.s32 s12, s17;
	s23 =	sadd.s32 s6, s20  }
0xf: {  	s20 =	simm.s32 $0x100;
	s19 =	sshrl.u32 s10, $0x3;
	s9 =	sshrl.u32 s9, $0x3  }
0x10: {  	s0 =	smax.u32 s0, $0x1;
	s25 =	sadd.s32 $0x500, s23;
	s6 =	sadd.s32 $0x400, s23  }
0x11: {  	s17 =	sadd.s32 $0x300, s23;
	s18 =	sshrl.u32 s11, $0x3;
	s23 =	simm.s32 $0x80  }
0x12: {  	s10 =	simm.s32 $0x0;
	s8 =	sadd.s32 s2, s19;
	s4 =	sadd.s32 s4, s9  }
0x13: {  	[dreg:$0xa] =	wrdreg s0;
	s6 =	sshrl.u32 s6, $0x3;
	s19 =	simm.s32 $0x7  }
0x14: {  	s0 =	simm.s32 $0x5300;
	s21 =	sadd.s32 $0x20, s8;
	[dreg:$0x9] =	wrdreg s4  }
0x15: {  	s9 =	simm.s32 $0x3;
	s22 =	sadd.s32 $0x40, s8;
	[dreg:$0x7] =	wrdreg s21  }
0x16: {  	s24 =	sadd.s32 $0xF60, s8;
	s26 =	sadd.s32 $0xF80, s8;
	[dreg:$0x8] =	wrdreg s22  }
0x17: {  	s4 =	sshrl.u32 s25, $0x3;
	s16 =	sadd.s32 s6, s2;
	[dreg:$0xb] =	wrdreg s24  }
0x18: {  	s25 =	simm.s32 $0x5;
	s6 =	simm.s32 $0x4;
	[dreg:$0xc] =	wrdreg s26  }
0x19: {  	s15 =	sadd.s32 s4, s2;
	s21 =	simm.s32 $0x200;
	s22 =	simm.s32 $0x50  }
0x1a: {  	s24 =	simm.s32 $0x300;
	s26 =	simm.s32 $0x180;
	s4 =	simm.s32 $0x2  }
.LBB2_1:
0x1b: {  	s11 =	rddreg [dreg:$0x6]  }
0x1c: {  	[spmem:s18], [sflag:s7] =	dma.local [hbm:s11], $0x2800  }
0x1d: {  	_ =	swait.ge [sflag:s19], $0x2800  }
0x1e: {  	[sflag:s19] =	ssyncset.done $0x0  }
0x1f: {  	[sflag:s19] =	ssyncadd.s32 $0xFFFFD800  }
0x20: {  	[tilespmem:s5], [sflag:$0x7] =	stream.linear.gather [hbm4b:s8+s5], $0x100, $0x38;
	[tilespmem:$0x1BB00] =	vst v63  }
0x21: {  	_ =	swait.ge [sflag:s19], $0x100  }
0x22: {  	[sflag:s19] =	ssyncset.done $0x0  }
0x23: {  	s14 =	rddreg [dreg:$0x7];
	[sflag:s19] =	ssyncadd.s32 $0xFFFFFF00  }
0x24: {  	[tilespmem:s20], [sflag:$0x5] =	stream.linear.gather [hbm4b:s14+s5], $0x100, $0x38;
	[tilespmem:$0x1BB00] =	vst v63  }
0x25: {  	s12 =	rddreg [dreg:$0x8]  }
0x26: {  	[tilespmem:s21], [sflag:$0x6] =	stream.linear.gather [hbm4b:s12+s5], $0x100, $0x38;
	[tilespmem:$0x1BB00] =	vst v63  }
0x27: {  	_ = 	snop  }
0x28: {  	[tilespmem:s24], [sflag:$0x1] =	stream.indirect.gather [hbm4b:s1+s22], $0x80, s23, s22, $0xb8;
	[tilespmem:$0x1BB00] =	vst v63  }
0x29: {  	_ =	swait.ge [sflag:s25], $0x100  }
0x2a: {  	[sflag:s25] =	ssyncset.done $0x0  }
0x2b: {  	[sflag:s25] =	ssyncadd.s32 $0xFFFFFF00  }
0x2c: {  	[tilespmem:s28], [sflag:$0x2] =	stream.indirect.gather [hbm4b:s1+s22], $0x80, s26, s22, $0xb8;
	[tilespmem:$0x1BB00] =	vst v63  }
0x2d: {  	[bflag:$0x0] =	sbarrier.arrive $0xFFFF  }
0x2e: {  	_ =	swait.ge [sflag:s29], $0x2800  }
0x2f: {  	[sflag:s29] =	ssyncset.done $0x0  }
0x30: {  	[sflag:s29] =	ssyncadd.s32 $0xFFFFD800  }
0x31: {  	[spmem:s3] =	stream.indirect.scatter.add.f32 [tilespmem:s24], [sflag:$0x7], $0x80, s5, s22, $0xb8;
	[tilespmem:$0x1BB00] =	vst v63  }
0x32: {  	_ =	swait.ge [sflag:s19], $0x2800  }
0x33: {  	[sflag:s19] =	ssyncset.done $0x0  }
0x34: {  	[sflag:s19] =	ssyncadd.s32 $0xFFFFD800  }
0x35: {  	_ =	swait.ge [sflag:s30], $0x100  }
0x36: {  	[sflag:s30] =	ssyncset.done $0x0  }
0x37: {  	s13 =	sshrl.u32 s17, $0x3;
	[sflag:s30] =	ssyncadd.s32 $0xFFFFFF00  }
0x38: {  	[tilespmem:s0], [sflag:$0x3] =	stream.indirect.gather [hbm4b:s1+s22], $0x80, s31, s22, $0xb8;
	[tilespmem:$0x1BB00] =	vst v63  }
0x39: {  	s11 =	sadd.s32 s2, s13  }
0x3a: {  	[tilespmem:s5], [sflag:$0x4] =	stream.linear.gather [hbm4b:s11+s5], $0x100, $0x38;
	[tilespmem:$0x1BB00] =	vst v63  }
0x3b: {  	_ =	swait.ge [sflag:s4], $0x2800  }
0x3c: {  	[sflag:s4] =	ssyncset.done $0x0  }
0x3d: {  	[sflag:s4] =	ssyncadd.s32 $0xFFFFD800  }
0x3e: {  	[spmem:s3] =	stream.indirect.scatter.add.f32 [tilespmem:s28], [sflag:$0x7], $0x80, s20, s22, $0xb8;
	[tilespmem:$0x1BB00] =	vst v63  }
0x3f: {  	_ =	swait.ge [sflag:s19], $0x2800  }
0x40: {  	[sflag:s19] =	ssyncset.done $0x0  }
0x41: {  	[sflag:s19] =	ssyncadd.s32 $0xFFFFD800  }
0x42: {  	_ =	swait.ge [sflag:s6], $0x100  }
0x43: {  	[sflag:s6] =	ssyncset.done $0x0  }
0x44: {  	[sflag:s6] =	ssyncadd.s32 $0xFFFFFF00  }
0x45: {  	[tilespmem:s24], [sflag:$0x1] =	stream.indirect.gather [hbm4b:s1+s22], $0x80, s23, s22, $0xb8;
	[tilespmem:$0x1BB00] =	vst v63  }
0x46: {  	s14 =	sadd.s32 $0x0, s16  }
0x47: {  	[tilespmem:s20], [sflag:$0x5] =	stream.linear.gather [hbm4b:s14+s5], $0x100, $0x38;
	[tilespmem:$0x1BB00] =	vst v63  }
0x48: {  	_ =	swait.ge [sflag:s9], $0x2800  }
0x49: {  	[sflag:s9] =	ssyncset.done $0x0  }
0x4a: {  	[sflag:s9] =	ssyncadd.s32 $0xFFFFD800  }
0x4b: {  	[spmem:s3] =	stream.indirect.scatter.add.f32 [tilespmem:s0], [sflag:$0x7], $0x80, s21, s22, $0xb8;
	[tilespmem:$0x1BB00] =	vst v63  }
0x4c: {  	_ =	swait.ge [sflag:s19], $0x2800  }
0x4d: {  	[sflag:s19] =	ssyncset.done $0x0  }
0x4e: {  	[sflag:s19] =	ssyncadd.s32 $0xFFFFD800  }
0x4f: {  	_ =	swait.ge [sflag:s25], $0x100  }
0x50: {  	s13 =	sadd.s32 $0x0, s15;
	[sflag:s25] =	ssyncset.done $0x0  }
0x51: {  	s12 =	sadd.s32 $0x300, s17;
	s11 =	simm.s32 $0x60;
	[sflag:s25] =	ssyncadd.s32 $0xFFFFFF00  }
0x52: {  	[tilespmem:s28], [sflag:$0x2] =	stream.indirect.gather [hbm4b:s1+s22], $0x80, s26, s22, $0xb8;
	[tilespmem:$0x1BB00] =	vst v63  }
.LBB2_2:
0x53: {  	[tilespmem:s21], [sflag:$0x6] =	stream.linear.gather [hbm4b:s13+s5], $0x100, $0x38;
	[tilespmem:$0x1BB00] =	vst v63  }
0x54: {  	s13 =	smov.u32 s11  }
0x55: {  	p0 =	sne.s32 s11, $0xEA0;
	s11 =	sadd.s32 $0x60, s11;
	_ =	swait.ge [sflag:s29], $0x2800  }
0x56: {  	[sflag:s29] =	ssyncset.done $0x0  }
0x57: {  	[sflag:s29] =	ssyncadd.s32 $0xFFFFD800  }
0x58: {  	[spmem:s3] =	stream.indirect.scatter.add.f32 [tilespmem:s24], [sflag:$0x7], $0x80, s5, s22, $0xb8;
	[tilespmem:$0x1BB00] =	vst v63  }
0x59: {  	_ =	swait.ge [sflag:s19], $0x2800  }
0x5a: {  	[sflag:s19] =	ssyncset.done $0x0  }
0x5b: {  	[sflag:s19] =	ssyncadd.s32 $0xFFFFD800  }
0x5c: {  	_ =	swait.ge [sflag:s30], $0x100  }
0x5d: {  	[sflag:s30] =	ssyncset.done $0x0  }
0x5e: {  	s14 =	sshrl.u32 s12, $0x3;
	[sflag:s30] =	ssyncadd.s32 $0xFFFFFF00  }
0x5f: {  	[tilespmem:s0], [sflag:$0x3] =	stream.indirect.gather [hbm4b:s1+s22], $0x80, s31, s22, $0xb8;
	[tilespmem:$0x1BB00] =	vst v63  }
0x60: {  	s14 =	sadd.s32 s2, s14  }
0x61: {  	[tilespmem:s5], [sflag:$0x4] =	stream.linear.gather [hbm4b:s14+s5], $0x100, $0x38;
	[tilespmem:$0x1BB00] =	vst v63  }
0x62: {  	_ =	swait.ge [sflag:s4], $0x2800  }
0x63: {  	[sflag:s4] =	ssyncset.done $0x0  }
0x64: {  	[sflag:s4] =	ssyncadd.s32 $0xFFFFD800  }
0x65: {  	[spmem:s3] =	stream.indirect.scatter.add.f32 [tilespmem:s28], [sflag:$0x7], $0x80, s20, s22, $0xb8;
	[tilespmem:$0x1BB00] =	vst v63  }
0x66: {  	_ =	swait.ge [sflag:s19], $0x2800  }
0x67: {  	[sflag:s19] =	ssyncset.done $0x0  }
0x68: {  	[sflag:s19] =	ssyncadd.s32 $0xFFFFD800  }
0x69: {  	_ =	swait.ge [sflag:s6], $0x100  }
0x6a: {  	[sflag:s6] =	ssyncset.done $0x0  }
0x6b: {  	[sflag:s6] =	ssyncadd.s32 $0xFFFFFF00  }
0x6c: {  	[tilespmem:s24], [sflag:$0x1] =	stream.indirect.gather [hbm4b:s1+s22], $0x80, s23, s22, $0xb8;
	[tilespmem:$0x1BB00] =	vst v63  }
0x6d: {  	s14 =	sadd.s32 s13, s16  }
0x6e: {  	[tilespmem:s20], [sflag:$0x5] =	stream.linear.gather [hbm4b:s14+s5], $0x100, $0x38;
	[tilespmem:$0x1BB00] =	vst v63  }
0x6f: {  	_ =	swait.ge [sflag:s9], $0x2800  }
0x70: {  	[sflag:s9] =	ssyncset.done $0x0  }
0x71: {  	[sflag:s9] =	ssyncadd.s32 $0xFFFFD800  }
0x72: {  	[spmem:s3] =	stream.indirect.scatter.add.f32 [tilespmem:s0], [sflag:$0x7], $0x80, s21, s22, $0xb8;
	[tilespmem:$0x1BB00] =	vst v63  }
0x73: {  	_ =	swait.ge [sflag:s19], $0x2800  }
0x74: {  	[sflag:s19] =	ssyncset.done $0x0  }
0x75: {  	[sflag:s19] =	ssyncadd.s32 $0xFFFFD800  }
.Ltmp0:
0x76: {  	_ =	swait.ge [sflag:s25], $0x100;
	(pc) =	sbr.rel @p0 .LBB2_2-.Ltmp0, $4  }
0x77: {  	[sflag:s25] =	ssyncset.done $0x0  }
0x78: {  	[sflag:s25] =	ssyncadd.s32 $0xFFFFFF00  }
0x79: {  	[tilespmem:s28], [sflag:$0x2] =	stream.indirect.gather [hbm4b:s1+s22], $0x80, s26, s22, $0xb8;
	[tilespmem:$0x1BB00] =	vst v63  }
0x7a: {  	s12 =	sadd.s32 $0x300, s12;
	s13 =	sadd.s32 s13, s15  }
0x7b: {  	[tilespmem:s21], [sflag:$0x6] =	stream.linear.gather [hbm4b:s13+s5], $0x100, $0x38;
	[tilespmem:$0x1BB00] =	vst v63  }
0x7c: {  	_ =	swait.ge [sflag:s29], $0x2800  }
0x7d: {  	[sflag:s29] =	ssyncset.done $0x0  }
0x7e: {  	[sflag:s29] =	ssyncadd.s32 $0xFFFFD800  }
0x7f: {  	[spmem:s3] =	stream.indirect.scatter.add.f32 [tilespmem:s24], [sflag:$0x7], $0x80, s5, s22, $0xb8;
	[tilespmem:$0x1BB00] =	vst v63  }
0x80: {  	_ =	swait.ge [sflag:s19], $0x2800  }
0x81: {  	[sflag:s19] =	ssyncset.done $0x0  }
0x82: {  	[sflag:s19] =	ssyncadd.s32 $0xFFFFD800  }
0x83: {  	_ =	swait.ge [sflag:s30], $0x100  }
0x84: {  	[sflag:s30] =	ssyncset.done $0x0  }
0x85: {  	[sflag:s30] =	ssyncadd.s32 $0xFFFFFF00  }
0x86: {  	[tilespmem:s0], [sflag:$0x3] =	stream.indirect.gather [hbm4b:s1+s22], $0x80, s31, s22, $0xb8;
	[tilespmem:$0x1BB00] =	vst v63  }
0x87: {  	s11 =	rddreg [dreg:$0xb]  }
0x88: {  	[tilespmem:s5], [sflag:$0x4] =	stream.linear.gather [hbm4b:s11+s5], $0x100, $0x38;
	[tilespmem:$0x1BB00] =	vst v63  }
0x89: {  	_ =	swait.ge [sflag:s4], $0x2800  }
0x8a: {  	[sflag:s4] =	ssyncset.done $0x0  }
0x8b: {  	[sflag:s4] =	ssyncadd.s32 $0xFFFFD800  }
0x8c: {  	[spmem:s3] =	stream.indirect.scatter.add.f32 [tilespmem:s28], [sflag:$0x7], $0x80, s20, s22, $0xb8;
	[tilespmem:$0x1BB00] =	vst v63  }
0x8d: {  	_ =	swait.ge [sflag:s19], $0x2800  }
0x8e: {  	[sflag:s19] =	ssyncset.done $0x0  }
0x8f: {  	[sflag:s19] =	ssyncadd.s32 $0xFFFFD800  }
0x90: {  	_ =	swait.ge [sflag:s6], $0x100  }
0x91: {  	[sflag:s6] =	ssyncset.done $0x0  }
0x92: {  	[sflag:s6] =	ssyncadd.s32 $0xFFFFFF00  }
0x93: {  	[tilespmem:s24], [sflag:$0x1] =	stream.indirect.gather [hbm4b:s1+s22], $0x80, s23, s22, $0xb8;
	[tilespmem:$0x1BB00] =	vst v63  }
0x94: {  	s12 =	rddreg [dreg:$0xc]  }
0x95: {  	[tilespmem:s20], [sflag:$0x5] =	stream.linear.gather [hbm4b:s12+s5], $0x100, $0x38;
	[tilespmem:$0x1BB00] =	vst v63  }
0x96: {  	_ =	swait.ge [sflag:s9], $0x2800  }
0x97: {  	[sflag:s9] =	ssyncset.done $0x0  }
0x98: {  	[sflag:s9] =	ssyncadd.s32 $0xFFFFD800  }
0x99: {  	[spmem:s3] =	stream.indirect.scatter.add.f32 [tilespmem:s0], [sflag:$0x7], $0x80, s21, s22, $0xb8;
	[tilespmem:$0x1BB00] =	vst v63  }
0x9a: {  	_ =	swait.ge [sflag:s19], $0x2800  }
0x9b: {  	[sflag:s19] =	ssyncset.done $0x0  }
0x9c: {  	[sflag:s19] =	ssyncadd.s32 $0xFFFFD800  }
0x9d: {  	_ =	swait.ge [sflag:s25], $0x100  }
0x9e: {  	[sflag:s25] =	ssyncset.done $0x0  }
0x9f: {  	[sflag:s25] =	ssyncadd.s32 $0xFFFFFF00  }
0xa0: {  	[tilespmem:s28], [sflag:$0x2] =	stream.indirect.gather [hbm4b:s1+s22], $0x80, s26, s22, $0xb8;
	[tilespmem:$0x1BB00] =	vst v63  }
0xa1: {  	_ =	swait.ge [sflag:s29], $0x2800  }
0xa2: {  	[sflag:s29] =	ssyncset.done $0x0  }
0xa3: {  	[sflag:s29] =	ssyncadd.s32 $0xFFFFD800  }
0xa4: {  	[spmem:s3] =	stream.indirect.scatter.add.f32 [tilespmem:s24], [sflag:$0x7], $0x80, s5, s22, $0xb8;
	[tilespmem:$0x1BB00] =	vst v63  }
0xa5: {  	_ =	swait.ge [sflag:s19], $0x2800  }
0xa6: {  	[sflag:s19] =	ssyncset.done $0x0  }
0xa7: {  	[sflag:s19] =	ssyncadd.s32 $0xFFFFD800  }
0xa8: {  	_ =	swait.ge [sflag:s4], $0x2800  }
0xa9: {  	[sflag:s4] =	ssyncset.done $0x0  }
0xaa: {  	[sflag:s4] =	ssyncadd.s32 $0xFFFFD800  }
0xab: {  	[spmem:s3] =	stream.indirect.scatter.add.f32 [tilespmem:s28], [sflag:$0x7], $0x80, s20, s22, $0xb8;
	[tilespmem:$0x1BB00] =	vst v63  }
0xac: {  	_ =	swait.ge [sflag:s19], $0x2800  }
0xad: {  	[sflag:s19] =	ssyncset.done $0x0  }
0xae: {  	[sflag:s19] =	ssyncadd.s32 $0xFFFFD800  }
0xaf: {  	[bflag:$0x0] =	sbarrier.arrive $0xFFFF  }
0xb0: {  	s13 =	rddreg [dreg:$0x9]  }
0xb1: {  	[hbm:s13], [sflag:s7] =	dma.local [spmem:s18], $0x2800  }
0xb2: {  	_ =	swait.ge [sflag:s19], $0x2800  }
0xb3: {  	s10 =	sadd.s32 $0x1, s10;
	s14 =	rddreg [dreg:$0xa]  }
0xb4: {  	p0 =	sne.s32 s10, s14  }
.Ltmp1:
0xb5: {  	_ = 	snop;
	(pc) =	sbr.rel @p0 .LBB2_1-.Ltmp1, $3  }
0xb6: {  	_ =	sdelay $0x1  }
0xb7: {  	[sflag:s19] =	ssyncset.done $0x0  }
0xb8: {  	[sflag:s19] =	ssyncadd.s32 $0xFFFFD800  }
0xb9: {  	_ =	sfence.sel $0x180000  }
0xba: {  	[bflag:$0x0] =	sbarrier.arrive $0xFFFF  }
0xbb: {  	_ =	strace $0x9000004A  }
0xbc: {  	s0 =	stileid.u32;
	[bflag:$0x2] =	sbarrier.arrive $0xFFFF  }
0xbd: {  	p0 =	sne.s32 s0, $0x0;
	s0 =	rddreg [dreg:$0x5]  }
0xbe: {  	s0 =	sadd.s32 @!p0 $0x100000, s0  }
0xbf: {  	[sflag:s0] =	ssyncadd.tile.s32 @!p0 $0x1;
	_ =	shalt  }
.Lfunc_end2:
_tile_overlayer_lowered:
.L_overlay_start_2:
0xc0: {  	(tag) =	ssettag $0x2  }
0xc1: {  	s0 =	rddreg [dreg:$0x0];
	s2 =	stileid.u32  }
0xc2: {  	s1 =	rddreg [dreg:$0x1];
	p0 =	sne.s32 s2, $0x0  }
0xc3: {  	s3 =	rddreg [dreg:$0x2];
	[bflag:$0x3] =	sbarrier.arrive $0xFFFF;
	s2 =	simm.s32 @!p0 $0x1C07  }
0xc4: {  	[timem:s3], [sflag:s2] =	dma.local @!p0 [hbm:s0], s1  }
0xc5: {  	s0 =	simm.s32 @!p0 $0x7  }
0xc6: {  	_ =	swait.ge @!p0 [sflag:s0], s1  }
0xc7: {  	s1 =	ssub.s32 @!p0 $0x0, s1;
	[sflag:s0] =	ssyncset.done @!p0 $0x0  }
0xc8: {  	[sflag:s0] =	ssyncadd.s32 @!p0 s1  }
0xc9: {  	[bflag:$0x3] =	sbarrier.arrive $0xFFFF  }
0xca: {  	_ =	shalt  }

// kernel: kernel.8.cloned.1.call-start
scs
__scs_entry_jumppad:
0x0: {  	(pc) =	sbr.rel $0x88, $3  }
0x1: {  	(tag) =	ssettag $0x0;
	lr =	simm.s32 $0x1  }
0x2: {  	[smem:$0x3F9A] =	sst lr;
	_ =	strace $0xD0000000  }
0x3: {  	_ = 	snop  }
0x4: {  	_ = 	snop  }
0x5: {  	_ = 	snop  }
0x6: {  	_ = 	snop  }
0x7: {  	_ = 	snop  }
__scs_overlays_trampoline_lowered:
0x8: {  	[smem:$0x3FA9] =	sst s0  }
0x9: {  	[smem:$0x3FAA] =	sst s1  }
0xa: {  	[smem:$0x3FAB] =	sst s2  }
0xb: {  	[smem:$0x3FAC] =	sst s3  }
0xc: {  	[smem:$0x3FAD] =	sst s4  }
0xd: {  	[smem:$0x3FAE] =	sst s5  }
0xe: {  	[smem:$0x3FAF] =	sst s6  }
0xf: {  	[smem:$0x3FB0] =	sst s7  }
0x10: {  	[smem:$0x3FB1] =	sst s8  }
0x11: {  	[smem:$0x3FB2] =	sst s9;
	s0 =	simm.s32 @!p0 $0x0  }
0x12: {  	s1 =	sld [smem:$0x3F98];
	s0 =	simm.s32 @p0 $0x1  }
0x13: {  	[smem:$0x3FB3] =	sst s0;
	s0 =	simm.s32 @!p1 $0x0  }
0x14: {  	s2 =	sld [smem:$0x3F97];
	s0 =	simm.s32 @p1 $0x1  }
0x15: {  	[smem:$0x3FB4] =	sst s0;
	s0 =	simm.s32 @!p2 $0x0  }
0x16: {  	s3 =	sld [smem:$0x3FDB];
	s0 =	simm.s32 @p2 $0x1  }
0x17: {  	s4 =	simm.s32 $0x1BF5;
	[smem:$0x3FB6] =	sst s0  }
0x18: {  	s0 =	sld [smem:$0x3F99];
	_ =	swait.ge [sflag:s4], $0x0  }
0x19: {  	s7 =	sld [smem:$0x3F9A]  }
0x1a: {  	s8 =	sadd.s32 $0xFFFFE003, lr  }
0x1b: {  	s9 =	sadd.s32 $0xFFFFFEF7, lr;
	s5 =	simm.s32 $0xFFFFFFFF;
	p2 =	slt.u32 s8, $0xFFFFF086  }
0x1c: {  	p1 =	slt.u32 s9, $0xF7A;
	s5 =	simm.s32 @!p2 $0x0  }
0x1d: {  	s5 =	simm.s32 @p1 $0x1;
	p0 =	seq.s32 s7, s2  }
0x1e: {  	s7 =	smul.u32 @!p0 $0xF7A, s2;
	p2 =	seq.s32 @!p0 s5, $0x0  }
0x1f: {  	s9 =	smul.u32 $0xF7A, s1;
	s8 =	simm.s32 @!p0 $0x1BF5;
	p2 =	por !p2, p0  }
0x20: {  	[sflag:s8] =	ssyncset.s32 @!p0 $0xFFFFF086;
	s6 =	sadd.s32 @!p0 s3, s7;
	s7 =	simm.s32 @!p0 $0x108  }
0x21: {  	s3 =	sadd.s32 s3, s9;
	s6 =	sadd.s32 @!p0 $0x88, s6;
	s7 =	simm.s32 @p2 $0x1082  }
0x22: {  	[simem:s7], [sflag:s8] =	dma.local @!p0 [hbm:s6], $0xF7A  }
0x23: {  	s9 =	sor.u32 $0xD0000000, s2;
	s6 =	simm.s32 $0x108;
	_ =	swait.ge @!p0 [sflag:s8], $0x0  }
0x24: {  	s3 =	sadd.s32 $0x88, s3;
	s6 =	simm.s32 @!p1 $0x1082;
	[sflag:s4] =	ssyncset.s32 $0xFFFFF086  }
0x25: {  	[simem:s6], [sflag:s4] =	dma.local [hbm:s3], $0xF7A  }
0x26: {  	[smem:$0x3F9A] =	sst s1;
	(tag) =	ssettag s2;
	_ =	strace s9  }
0x27: {  	s1 =	sld [smem:$0x3FAA]  }
0x28: {  	s2 =	sld [smem:$0x3FAB]  }
0x29: {  	s4 =	sld [smem:$0x3FAD]  }
0x2a: {  	p0 =	seq.s32 s5, $0x0;
	s5 =	sld [smem:$0x3FAE]  }
0x2b: {  	s6 =	sld [smem:$0x3FAF]  }
0x2c: {  	s7 =	sld [smem:$0x3FB0]  }
0x2d: {  	s3 =	simm.s32 $0x108;
	s8 =	sld [smem:$0x3FB1]  }
0x2e: {  	s3 =	simm.s32 @!p0 $0x1082;
	s9 =	sld [smem:$0x3FB2]  }
0x2f: {  	lr =	sadd.s32 s0, s3;
	s0 =	sld [smem:$0x3FA9]  }
0x30: {  	s3 =	sld [smem:$0x3FAC]  }
0x31: {  	[smem:$0x3FB5] =	sst s10  }
0x32: {  	s10 =	sld [smem:$0x3FB3];
	_ =	sdelay $0x3  }
0x33: {  	p0 =	seq.s32 s10, $0x1;
	s10 =	sld [smem:$0x3FB5];
	_ =	sdelay $0x3  }
0x34: {  	[smem:$0x3FB5] =	sst s10  }
0x35: {  	s10 =	sld [smem:$0x3FB4];
	_ =	sdelay $0x3  }
0x36: {  	p1 =	seq.s32 s10, $0x1;
	s10 =	sld [smem:$0x3FB5];
	_ =	sdelay $0x3  }
0x37: {  	[smem:$0x3FB5] =	sst s10  }
0x38: {  	s10 =	sld [smem:$0x3FB6]  }
0x39: {  	_ = 	snop;
	(pc) =	sbr.ind lr, $3  }
0x3a: {  	_ = 	snop  }
0x3b: {  	_ = 	snop  }
0x3c: {  	p2 =	seq.s32 s10, $0x1;
	s10 =	sld [smem:$0x3FB5]  }
0x3d: {  	_ =	shalt  }
0x3e: {  	_ =	shalt  }
0x3f: {  	_ =	shalt  }
0x40: {  	_ =	shalt  }
0x41: {  	_ =	shalt  }
0x42: {  	_ =	shalt  }
0x43: {  	_ =	shalt  }
0x44: {  	_ =	shalt  }
0x45: {  	_ =	shalt  }
0x46: {  	_ =	shalt  }
0x47: {  	_ =	shalt  }
0x48: {  	_ =	shalt  }
0x49: {  	_ =	shalt  }
0x4a: {  	_ =	shalt  }
0x4b: {  	_ =	shalt  }
0x4c: {  	_ =	shalt  }
0x4d: {  	_ =	shalt  }
0x4e: {  	_ =	shalt  }
0x4f: {  	_ =	shalt  }
0x50: {  	_ =	shalt  }
0x51: {  	_ =	shalt  }
0x52: {  	_ =	shalt  }
0x53: {  	_ =	shalt  }
0x54: {  	_ =	shalt  }
0x55: {  	_ =	shalt  }
0x56: {  	_ =	shalt  }
0x57: {  	_ =	shalt  }
0x58: {  	_ =	shalt  }
0x59: {  	_ =	shalt  }
0x5a: {  	_ =	shalt  }
0x5b: {  	_ =	shalt  }
0x5c: {  	_ =	shalt  }
0x5d: {  	_ =	shalt  }
0x5e: {  	_ =	shalt  }
0x5f: {  	_ =	shalt  }
0x60: {  	_ =	shalt  }
0x61: {  	_ =	shalt  }
0x62: {  	_ =	shalt  }
0x63: {  	_ =	shalt  }
0x64: {  	_ =	shalt  }
0x65: {  	_ =	shalt  }
0x66: {  	_ =	shalt  }
0x67: {  	_ =	shalt  }
0x68: {  	_ =	shalt  }
0x69: {  	_ =	shalt  }
0x6a: {  	_ =	shalt  }
0x6b: {  	_ =	shalt  }
0x6c: {  	_ =	shalt  }
0x6d: {  	_ =	shalt  }
0x6e: {  	_ =	shalt  }
0x6f: {  	_ =	shalt  }
0x70: {  	_ =	shalt  }
0x71: {  	_ =	shalt  }
0x72: {  	_ =	shalt  }
0x73: {  	_ =	shalt  }
0x74: {  	_ =	shalt  }
0x75: {  	_ =	shalt  }
0x76: {  	_ =	shalt  }
0x77: {  	_ =	shalt  }
0x78: {  	_ =	shalt  }
0x79: {  	_ =	shalt  }
0x7a: {  	_ =	shalt  }
0x7b: {  	_ =	shalt  }
0x7c: {  	_ =	shalt  }
0x7d: {  	_ =	shalt  }
0x7e: {  	_ =	shalt  }
0x7f: {  	_ =	shalt  }
0x80: {  	_ =	shalt  }
0x81: {  	_ =	shalt  }
0x82: {  	_ =	shalt  }
0x83: {  	_ =	shalt  }
0x84: {  	_ =	shalt  }
0x85: {  	_ =	shalt  }
0x86: {  	_ =	shalt  }
0x87: {  	_ =	shalt  }
.Lfunc_end0:
.L_simem_size_0:
called_computation.1_lowered:
.L_overlay_start_0:
0x88: {  	s2 =	sld [smem:$0x3FD9]  }
0x89: {  	s3 =	sld [smem:$0x3FFE];
	_ =	sdelay $0x1  }
0x8a: {  	s1 =	srdreg.scid  }
0x8b: {  	s0 =	sand.u32 $0x1, s1  }
0x8c: {  	s14 =	sshll.u32 s0, $0xA;
	s2 =	sadd.s32 s3, s2  }
0x8d: {  	s2 =	sadd.s32 s2, s14  }
0x8e: {  	[smem:$0x3FC1] =	sst s2  }
0x8f: {  	_ = 	snop  }
0x90: {  	s2 =	sld [smem:$0x3FD0];
	_ =	sdelay $0x2  }
0x91: {  	s15 =	simm.s32 $0xB;
	s4 =	simm.s32 $0x10  }
0x92: {  	[smem:s4], [sflag:s15] =	dma.local [hbm:s2], $0x1  }
0x93: {  	_ =	swait.eq [sflag:s15], $0x1  }
0x94: {  	[sflag:s15] =	ssyncset.done $0x0  }
0x95: {  	[sflag:s15] =	ssyncadd.s32 $0xFFFFFFFF  }
0x96: {  	s16 =	sld [smem:$0x11];
	(tm) =	ssettm $0x1  }
0x97: {  	s17 =	sld [smem:$0x3FFB];
	_ =	sdelay $0x3  }
0x98: {  	_ =	strace s17  }
0x99: {  	s3 =	sld [smem:$0x3FFC];
	_ =	sdelay $0x3  }
0x9a: {  	_ =	strace s3  }
0x9b: {  	s3 =	sld [smem:$0x3FFD];
	_ =	sdelay $0x3  }
0x9c: {  	_ =	strace s3  }
0x9d: {  	_ =	strace $0x8FFFFFFF  }
0x9e: {  	s18 =	sld [smem:$0x3FDB];
	_ =	sdelay $0x1  }
0x9f: {  	s19 =	simm.s32 $_scs_section_size  }
0xa0: {  	s5 =	simm.s32 $_size__tile_overlayer_lowered;
	s6 =	simm.s32 $_tile_overlayer_lowered  }
0xa1: {  	s22 =	simm.s32 $0x1BFF;
	s21 =	sshll.u32 s6, $0x1;
	s3 =	sadd.s32 s19, s18  }
0xa2: {  	s7 =	simm.s32 $0x0;
	s20 =	sshll.u32 s5, $0x1;
	s5 =	sadd.s32 s21, s3  }
0xa3: {  	[timem:s7], [sflag:s22] =	dma.local [hbm:s5], s20  }
0xa4: {  	_ =	swait.ge [sflag:s22], s20  }
0xa5: {  	s4 =	ssub.s32 $0x0, s20;
	[sflag:s22] =	ssyncset.done $0x0  }
0xa6: {  	[sflag:s22] =	ssyncadd.s32 s4;
	_ =	sdelay $0x1  }
0xa7: {  	s23 =	simm.s32 $0x1B8B  }
0xa8: {  	_ =	swait.ge [sflag:s23], $0x1  }
0xa9: {  	[sflag:s23] =	ssyncset.done $0x0  }
0xaa: {  	s25 =	simm.s32 $0x1B8E;
	s24 =	sld [smem:$0x3FFE];
	[sflag:s23] =	ssyncadd.s32 $0xFFFFFFFF  }
0xab: {  	s26 =	simm.s32 $execute0_lowered;
	[smem:$0x3FD2] =	sst s25  }
0xac: {  	s5 =	sshll.u32 s26, $0x1;
	_ =	strace $0x80000046;
	[dreg:$0x1] =	wrdreg $0xFFFFFFFF  }
0xad: {  	s28 =	simm.s32 $_size_execute0_lowered;
	s3 =	sadd.s32 s3, s5;
	[dreg:$0x0] =	wrdreg $0x0  }
0xae: {  	s5 =	sshll.u32 s28, $0x1;
	[dreg:$0x2] =	wrdreg s3  }
0xaf: {  	[dreg:$0x3] =	wrdreg s5  }
0xb0: {  	[dreg:$0x4] =	wrdreg $0xC0  }
0xb1: {  	_ =	task [dreg:s7], $0x5FFFF  }
0xb2: {  	[dreg:$0x1] =	wrdreg $0xFFFFFFFF  }
0xb3: {  	[dreg:$0x0] =	wrdreg $0x60  }
0xb4: {  	[dreg:$0x2] =	wrdreg s16  }
0xb5: {  	[dreg:$0x3] =	wrdreg s24  }
0xb6: {  	[dreg:$0x4] =	wrdreg $0x90000  }
0xb7: {  	[dreg:$0x5] =	wrdreg $0xA  }
0xb8: {  	_ =	task.clear_ibuf [dreg:s7], $0x6FFFF;
	_ =	strace $0x90000046  }
0xb9: {  	s29 =	simm.s32 $0xA;
	_ =	strace $0x80000048  }
0xba: {  	_ =	swait.ge [sflag:s29], $0x1  }
0xbb: {  	[sflag:s29] =	ssyncadd.s32 $0xFFFFFFFF  }
0xbc: {  	_ =	strace $0x90000048  }
0xbd: {  	_ =	sfence  }
0xbe: {  	s30 =	sld [smem:$0x0];
	_ =	sdelay $0x2  }
0xbf: {  	s31 =	sshll.u32 s1, $0xD;
	s1 =	sshrl.u32 s1, $0x2  }
0xc0: {  	s3 =	sand.u32 $0x4000, s31;
	s1 =	sadd.s32 s1, s30  }
0xc1: {  	s0 =	sor.u32 s3, s0;
	s1 =	sshll.u32 s1, $0x11  }
0xc2: {  	s0 =	sor.u32 s1, s0  }
0xc3: {  	s0 =	sadd.s32 $0x8F2B, s0  }
0xc4: {  	[sflag:s0] =	ssyncadd.remote.s32 $0x1  }
0xc5: {  	_ =	sfence.sel $0xFFFF  }
0xc6: {  	[dreg:$0x0] =	wrdreg $0xFFFFFFFF;
	(pc) =	sbr.abs _section_cstart, $3  }
0xc7: {  	[dreg:$0x1] =	wrdreg $0xFFFFFFFF  }
0xc8: {  	_ =	task.clear_ibuf [dreg:s7], $0x2FFFF;
	_ =	strace $0x9FFFFFFF  }
0xc9: {  	(tm) =	ssettm $0x7FFFFFFF  }
tec
execute0_lowered:
.L_overlay_start_1:
0x0: {  	(tag) =	ssettag $0x1  }
0x1: {  	s7 =	rddreg [dreg:$0x0]  }
0x2: {  	s6 =	rddreg [dreg:$0x1];
	s0 =	srdreg.scid  }
0x3: {  	s2 =	rddreg [dreg:$0x2];
	s1 =	stileid.u32  }
0x4: {  	s3 =	simm.s32 $0x0;
	s15 =	simm.s32 $0x4000;
	s16 =	simm.s32 $0x1  }
0x5: {  	s17 =	simm.s32 $0x6800;
	s18 =	simm.s32 $0x50;
	s19 =	simm.s32 $0x2  }
0x6: {  	s20 =	simm.s32 $0x3E00;
	s21 =	simm.s32 $0x0;
	s9 =	smul.u32 $0x14000, s1  }
0x7: {  	s8 =	sand.u32 $0x1, s0;
	s0 =	rddreg [dreg:$0x3];
	s11 =	smul.u32 $0x50000, s1  }
0x8: {  	[smem:$0x7FF] =	sst s3;
	s4 =	sadd.s32 $0x4E3A00, s6;
	s12 =	smul.u32 $0x271000, s1  }
0x9: {  	s25 =	sshll.u32 s1, $0x1;
	s26 =	sshll.u32 s1, $0x6;
	s5 =	smul.u32 $0x140000, s8  }
0xa: {  	_ =	strace $0x80000047;
	s10 =	ssub.s32 $0x2, s8;
	s13 =	sor.u32 s8, s25  }
0xb: {  	s8 =	smul.u32 $0x138800, s8;
	s24 =	sshrl.u32 s10, $0x1;
	s11 =	sshrl.u32 s11, $0x2  }
0xc: {  	s28 =	smul.u32 $0x138800, s13;
	s13 =	sshll.u32 s13, $0xB;
	s9 =	sadd.s32 s9, s5  }
0xd: {  	s5 =	sadd.s32 $0x1A00, s6;
	s10 =	ssub.s32 s10, s24;
	s14 =	sadd.s32 s11, s2  }
0xe: {  	s12 =	sadd.s32 s8, s12;
	s7 =	sadd.s32 s7, s13;
	s9 =	sshrl.u32 s9, $0x3  }
0xf: {  	s29 =	sshrl.u32 s28, $0x3;
	s30 =	sadd.s32 $0x2800, s12;
	s10 =	smax.u32 s10, $0x1  }
0x10: {  	s11 =	sadd.s32 $0x5000, s12;
	s13 =	sshrl.u32 s14, $0x3;
	s14 =	simm.s32 $0x3  }
0x11: {  	s9 =	sadd.s32 s9, s6;
	s6 =	sor.u32 $0x1C03, s26;
	s31 =	sshrl.u32 s30, $0x3  }
0x12: {  	s8 =	sadd.s32 s4, s29;
	s9 =	sadd.s32 $0x4200, s9;
	s12 =	sadd.s32 s31, s4  }
.LBB2_1:
0x13: {  	[spmem:s13], [sflag:s6] =	dma.local [hbm:s5], $0x2800  }
0x14: {  	_ =	swait.ge [sflag:s14], $0x2800  }
0x15: {  	[sflag:s14] =	ssyncset.done $0x0  }
0x16: {  	[sflag:s14] =	ssyncadd.s32 $0xFFFFD800  }
0x17: {  	[tilespmem:s3], [sflag:$0x3] =	stream.linear.gather [hbm4b:s7+s3], $0x3E80, $0x38;
	[tilespmem:$0x1D000] =	vst v63  }
0x18: {  	_ =	swait.ge [sflag:s14], $0x3E80  }
0x19: {  	[sflag:s14] =	ssyncset.done $0x0  }
0x1a: {  	[sflag:s14] =	ssyncadd.s32 $0xFFFFC180  }
0x1b: {  	[tilespmem:s15], [sflag:$0x1] =	stream.linear.gather [hbm4b:s8+s3], $0x2800, $0x38;
	[tilespmem:$0x1D000] =	vst v63  }
0x1c: {  	[bflag:$0x0] =	sbarrier.arrive $0xFFFF  }
0x1d: {  	_ =	swait.ge [sflag:s16], $0x2800  }
0x1e: {  	[sflag:s16] =	ssyncset.done $0x0  }
0x1f: {  	s22 =	sadd.s32 $0x0, s12;
	[sflag:s16] =	ssyncadd.s32 $0xFFFFD800  }
0x20: {  	[tilespmem:s17], [sflag:$0x2] =	stream.linear.gather [hbm4b:s22+s3], $0x2800, $0x38;
	[tilespmem:$0x1D000] =	vst v63  }
0x21: {  	_ = 	snop  }
0x22: {  	[spmem:s2] =	stream.indirect.scatter.add.f32 [tilespmem:s15], [sflag:$0x3], $0x80, s3, s18, $0xb8;
	[tilespmem:$0x1D000] =	vst v63  }
0x23: {  	_ =	swait.ge [sflag:s14], $0x2800  }
0x24: {  	[sflag:s14] =	ssyncset.done $0x0  }
0x25: {  	[sflag:s14] =	ssyncadd.s32 $0xFFFFD800  }
0x26: {  	_ =	swait.ge [sflag:s19], $0x2800  }
0x27: {  	s30 =	sshrl.u32 s11, $0x3;
	[sflag:s19] =	ssyncset.done $0x0  }
0x28: {  	s22 =	sadd.s32 s4, s30;
	[sflag:s19] =	ssyncadd.s32 $0xFFFFD800  }
0x29: {  	[tilespmem:s15], [sflag:$0x1] =	stream.linear.gather [hbm4b:s22+s3], $0x2800, $0x38;
	[tilespmem:$0x1D000] =	vst v63  }
0x2a: {  	s31 =	simm.s32 $0x80  }
0x2b: {  	[spmem:s2] =	stream.indirect.scatter.add.f32 [tilespmem:s17], [sflag:$0x3], $0x80, s31, s18, $0xb8;
	[tilespmem:$0x1D000] =	vst v63  }
0x2c: {  	s23 =	smov.u32 s11;
	_ =	swait.ge [sflag:s14], $0x2800  }
0x2d: {  	s24 =	simm.s32 $0x0;
	s22 =	simm.s32 $0xA00;
	[sflag:s14] =	ssyncset.done $0x0  }
.LBB2_2:
0x2e: {  	[sflag:s14] =	ssyncadd.s32 $0xFFFFD800;
	s23 =	sadd.s32 $0x5000, s23;
	s24 =	sadd.s32 $0x100, s24  }
0x2f: {  	p0 =	sne.s32 s22, $0x26200;
	s25 =	smov.u32 s22;
	s22 =	sadd.s32 $0xA00, s22  }
0x30: {  	_ =	swait.ge [sflag:s16], $0x2800  }
0x31: {  	[sflag:s16] =	ssyncset.done $0x0  }
0x32: {  	s25 =	sadd.s32 s25, s12;
	[sflag:s16] =	ssyncadd.s32 $0xFFFFD800  }
0x33: {  	[tilespmem:s17], [sflag:$0x2] =	stream.linear.gather [hbm4b:s25+s3], $0x2800, $0x38;
	[tilespmem:$0x1D000] =	vst v63  }
0x34: {  	_ = 	snop  }
0x35: {  	[spmem:s2] =	stream.indirect.scatter.add.f32 [tilespmem:s15], [sflag:$0x3], $0x80, s24, s18, $0xb8;
	[tilespmem:$0x1D000] =	vst v63  }
0x36: {  	_ =	swait.ge [sflag:s14], $0x2800  }
0x37: {  	[sflag:s14] =	ssyncset.done $0x0  }
0x38: {  	[sflag:s14] =	ssyncadd.s32 $0xFFFFD800  }
0x39: {  	_ =	swait.ge [sflag:s19], $0x2800  }
0x3a: {  	s25 =	sshrl.u32 s23, $0x3;
	[sflag:s19] =	ssyncset.done $0x0  }
0x3b: {  	s25 =	sadd.s32 s4, s25;
	[sflag:s19] =	ssyncadd.s32 $0xFFFFD800  }
0x3c: {  	[tilespmem:s15], [sflag:$0x1] =	stream.linear.gather [hbm4b:s25+s3], $0x2800, $0x38;
	[tilespmem:$0x1D000] =	vst v63  }
.Ltmp0:
0x3d: {  	_ = 	snop;
	(pc) =	sbr.rel @p0 .LBB2_2-.Ltmp0, $4  }
0x3e: {  	s25 =	sadd.s32 $0x80, s24  }
0x3f: {  	[spmem:s2] =	stream.indirect.scatter.add.f32 [tilespmem:s17], [sflag:$0x3], $0x80, s25, s18, $0xb8;
	[tilespmem:$0x1D000] =	vst v63  }
0x40: {  	_ =	swait.ge [sflag:s14], $0x2800  }
0x41: {  	[sflag:s14] =	ssyncset.done $0x0  }
0x42: {  	[sflag:s14] =	ssyncadd.s32 $0xFFFFD800  }
0x43: {  	_ =	swait.ge [sflag:s16], $0x2800  }
0x44: {  	[sflag:s16] =	ssyncset.done $0x0  }
0x45: {  	[sflag:s16] =	ssyncadd.s32 $0xFFFFD800  }
0x46: {  	[spmem:s2] =	stream.indirect.scatter.add.f32 [tilespmem:s15], [sflag:$0x3], $0x80, s20, s18, $0xb8;
	[tilespmem:$0x1D000] =	vst v63  }
0x47: {  	_ =	swait.ge [sflag:s14], $0x2800  }
0x48: {  	s21 =	sadd.s32 $0x1, s21;
	[sflag:s14] =	ssyncset.done $0x0  }
0x49: {  	p0 =	sne.s32 s21, s10;
	[sflag:s14] =	ssyncadd.s32 $0xFFFFD800  }
.Ltmp1:
0x4a: {  	[bflag:$0x0] =	sbarrier.arrive $0xFFFF;
	(pc) =	sbr.rel @p0 .LBB2_1-.Ltmp1, $4  }
0x4b: {  	[hbm:s9], [sflag:s6] =	dma.local [spmem:s13], $0x2800  }
0x4c: {  	_ =	swait.ge [sflag:s14], $0x2800  }
0x4d: {  	[sflag:s14] =	ssyncset.done $0x0  }
0x4e: {  	[sflag:s14] =	ssyncadd.s32 $0xFFFFD800  }
0x4f: {  	_ =	sfence.sel $0x180000  }
0x50: {  	[bflag:$0x0] =	sbarrier.arrive $0xFFFF  }
0x51: {  	p0 =	sne.s32 s1, $0x0;
	_ =	strace $0x90000047  }
0x52: {  	s0 =	sadd.s32 @!p0 $0x100000, s0;
	[bflag:$0x2] =	sbarrier.arrive $0xFFFF  }
0x53: {  	[sflag:s0] =	ssyncadd.tile.s32 @!p0 $0x1;
	_ =	shalt  }
.Lfunc_end2:
_tile_overlayer_lowered:
.L_overlay_start_2:
0x54: {  	(tag) =	ssettag $0x2  }
0x55: {  	s0 =	rddreg [dreg:$0x0];
	s2 =	stileid.u32  }
0x56: {  	s1 =	rddreg [dreg:$0x1];
	p0 =	sne.s32 s2, $0x0  }
0x57: {  	s3 =	rddreg [dreg:$0x2];
	[bflag:$0x3] =	sbarrier.arrive $0xFFFF;
	s2 =	simm.s32 @!p0 $0x1C03  }
0x58: {  	[timem:s3], [sflag:s2] =	dma.local @!p0 [hbm:s0], s1  }
0x59: {  	s0 =	simm.s32 @!p0 $0x3  }
0x5a: {  	_ =	swait.ge @!p0 [sflag:s0], s1  }
0x5b: {  	s1 =	ssub.s32 @!p0 $0x0, s1;
	[sflag:s0] =	ssyncset.done @!p0 $0x0  }
0x5c: {  	[sflag:s0] =	ssyncadd.s32 @!p0 s1  }
0x5d: {  	[bflag:$0x3] =	sbarrier.arrive $0xFFFF  }
0x5e: {  	_ =	shalt  }

</sc_bundles>
